<compile_context>
chip_gen: v7x
topology: tpu7x:2x2x1
jax: 0.10.2.dev20260603
libtpu: 0.0.44.dev20260713+nightly
codegen_flags: <defaults>
</compile_context>

<pallas_src>
import functools

import jax
import jax.numpy as jnp
from jax import lax
from jax.experimental import pallas as pl
from jax.experimental.pallas import tpu as pltpu
from jax.experimental.pallas import tpu_sc as plsc

N = 10000
E = 320000
D = 128
G = 64
NT = 32
EPT = E // NT
K = 80
NCH = EPT // K
NPAD = 10240
RPT = NPAD // 16
BR = 2000
GRID = N // BR

_mesh = plsc.VectorSubcoreMesh(core_axis_name="c", subcore_axis_name="s")


@functools.partial(
    pl.kernel,
    mesh=_mesh,
    out_type=jax.ShapeDtypeStruct((2, 16 * NPAD), jnp.float32),
    scratch_types=[
        pltpu.VMEM((NCH, K), jnp.int32),
        pltpu.VMEM((K,), jnp.float32),
        pltpu.VMEM_SHARED((16 * NPAD,), jnp.float32),
    ],
)
def _deg_kernel(dst_hbm, ones_hbm, zeros_hbm, out_hbm, dst_v, ones_v, acc_sh):
    cid = lax.axis_index("c")
    sid = lax.axis_index("s")
    wid = cid * 16 + sid
    off = pl.multiple_of(sid * NPAD, 8)
    pltpu.sync_copy(dst_hbm.at[wid], dst_v)
    pltpu.sync_copy(ones_hbm, ones_v)
    pltpu.sync_copy(zeros_hbm.at[pl.ds(off, NPAD)],
                    acc_sh.at[pl.ds(off, NPAD)])
    plsc.subcore_barrier()

    def body(c, carry):
        pltpu.sync_copy(ones_v, acc_sh.at[dst_v.at[c]], add=True)
        return carry

    lax.fori_loop(0, NCH, body, 0)
    plsc.subcore_barrier()
    pltpu.sync_copy(acc_sh.at[pl.ds(off, NPAD)],
                    out_hbm.at[cid, pl.ds(off, NPAD)])


NPH = 5
PC = NCH // NPH
PPAIR = PC // 2


@functools.partial(
    pl.kernel,
    mesh=_mesh,
    out_type=jax.ShapeDtypeStruct((2, NPAD, D), jnp.float32),
    scratch_types=[
        pltpu.VMEM((PC, K), jnp.int32),
        pltpu.VMEM((PC, K), jnp.int32),
        pltpu.VMEM((K, D), jnp.float32),
        pltpu.VMEM((K, D), jnp.float32),
        pltpu.VMEM_SHARED((NPAD, D), jnp.float32),
        pltpu.SemaphoreType.DMA,
        pltpu.SemaphoreType.DMA,
    ],
)
def _edge_kernel(table_hbm, src_hbm, dst_hbm, zeros_hbm, out_hbm,
                 src_v, dst_v, rows_a, rows_b, acc_sh, sem_a, sem_b):
    cid = lax.axis_index("c")
    sid = lax.axis_index("s")
    wid = cid * 16 + sid
    pltpu.sync_copy(zeros_hbm.at[pl.ds(sid * RPT, RPT)],
                    acc_sh.at[pl.ds(sid * RPT, RPT)])
    plsc.subcore_barrier()

    def start(c, buf, sem):
        pltpu.async_copy(table_hbm.at[src_v.at[c]], buf, sem)

    def wait(c, buf, sem):
        pltpu.make_async_copy(table_hbm.at[src_v.at[c]], buf, sem).wait()

    def phase(p, carry):
        pltpu.sync_copy(src_hbm.at[wid, p], src_v)
        pltpu.sync_copy(dst_hbm.at[wid, p], dst_v)
        start(0, rows_a, sem_a)

        def body(i, carry2):
            c0 = 2 * i
            c1 = c0 + 1
            start(c1, rows_b, sem_b)
            wait(c0, rows_a, sem_a)
            pltpu.sync_copy(rows_a, acc_sh.at[dst_v.at[c0]], add=True)

            @pl.when(i < PPAIR - 1)
            def _():
                start(c0 + 2, rows_a, sem_a)

            wait(c1, rows_b, sem_b)
            pltpu.sync_copy(rows_b, acc_sh.at[dst_v.at[c1]], add=True)
            return carry2

        lax.fori_loop(0, PPAIR, body, 0)
        start(PC - 1, rows_a, sem_a)
        wait(PC - 1, rows_a, sem_a)
        pltpu.sync_copy(rows_a, acc_sh.at[dst_v.at[PC - 1]], add=True)
        return carry

    lax.fori_loop(0, NPH, phase, 0)
    plsc.subcore_barrier()
    pltpu.sync_copy(acc_sh.at[pl.ds(sid * RPT, RPT)],
                    out_hbm.at[cid, pl.ds(sid * RPT, RPT)])


_HI = jax.lax.Precision.HIGHEST


def _mmh_body(x_ref, w_ref, h_ref):
    h_ref[...] = jnp.dot(x_ref[...], w_ref[...],
                         preferred_element_type=jnp.float32, precision=_HI)


def _scale_body(h_ref, dg_ref, hs_ref, dinv_ref):
    deg = jnp.sum(dg_ref[...], axis=1, keepdims=True) + 1.0
    dinv = lax.rsqrt(deg)
    hs_ref[...] = h_ref[...] * dinv
    dinv_ref[...] = dinv


def _mid_body(acc_ref, hs_ref, dinv_ref, b_ref, w_ref, out_ref):
    dinv = dinv_ref[...]
    m = (acc_ref[0] + acc_ref[1] + hs_ref[...]) * dinv + b_ref[...]
    m = jnp.maximum(m, 0.0)
    out_ref[...] = jnp.dot(m, w_ref[...], preferred_element_type=jnp.float32,
                           precision=_HI) * dinv


def _fin_body(acc_ref, hs_ref, dinv_ref, b_ref, wfc_ref, bfc_ref, batch_ref,
              out_ref, sums_ref, cnts_ref):
    i = pl.program_id(0)
    m = (acc_ref[0] + acc_ref[1] + hs_ref[...]) * dinv_ref[...] + b_ref[...]
    m = jnp.maximum(m, 0.0)
    y = jnp.sum(m * wfc_ref[...], axis=1, keepdims=True)
    oh = (batch_ref[...] == lax.broadcasted_iota(jnp.int32, (BR, G), 1))
    oh = oh.astype(jnp.float32)
    s = jnp.sum(oh * y, axis=0, keepdims=True)
    c = jnp.sum(oh, axis=0, keepdims=True)

    @pl.when(i == 0)
    def _():
        sums_ref[...] = s
        cnts_ref[...] = c

    @pl.when(i > 0)
    def _():
        sums_ref[...] += s
        cnts_ref[...] += c

    @pl.when(i == GRID - 1)
    def _():
        out_ref[...] = (sums_ref[...] / jnp.maximum(cnts_ref[...], 1.0)
                        + bfc_ref[...])


_mmh = pl.pallas_call(
    _mmh_body,
    grid=(GRID,),
    in_specs=[
        pl.BlockSpec((BR, D), lambda i: (i, 0)),
        pl.BlockSpec((D, D), lambda i: (0, 0)),
    ],
    out_specs=pl.BlockSpec((BR, D), lambda i: (i, 0)),
    out_shape=jax.ShapeDtypeStruct((N, D), jnp.float32),
)

_scale = pl.pallas_call(
    _scale_body,
    grid=(GRID,),
    in_specs=[
        pl.BlockSpec((BR, D), lambda i: (i, 0)),
        pl.BlockSpec((BR, NT), lambda i: (i, 0)),
    ],
    out_specs=[
        pl.BlockSpec((BR, D), lambda i: (i, 0)),
        pl.BlockSpec((BR, 1), lambda i: (i, 0)),
    ],
    out_shape=[
        jax.ShapeDtypeStruct((N, D), jnp.float32),
        jax.ShapeDtypeStruct((N, 1), jnp.float32),
    ],
)

_mid = pl.pallas_call(
    _mid_body,
    grid=(GRID,),
    in_specs=[
        pl.BlockSpec((2, BR, D), lambda i: (0, i, 0)),
        pl.BlockSpec((BR, D), lambda i: (i, 0)),
        pl.BlockSpec((BR, 1), lambda i: (i, 0)),
        pl.BlockSpec((1, D), lambda i: (0, 0)),
        pl.BlockSpec((D, D), lambda i: (0, 0)),
    ],
    out_specs=pl.BlockSpec((BR, D), lambda i: (i, 0)),
    out_shape=jax.ShapeDtypeStruct((N, D), jnp.float32),
)

_fin = pl.pallas_call(
    _fin_body,
    grid=(GRID,),
    in_specs=[
        pl.BlockSpec((2, BR, D), lambda i: (0, i, 0)),
        pl.BlockSpec((BR, D), lambda i: (i, 0)),
        pl.BlockSpec((BR, 1), lambda i: (i, 0)),
        pl.BlockSpec((1, D), lambda i: (0, 0)),
        pl.BlockSpec((1, D), lambda i: (0, 0)),
        pl.BlockSpec((1, 1), lambda i: (0, 0)),
        pl.BlockSpec((BR, 1), lambda i: (i, 0)),
    ],
    out_specs=pl.BlockSpec((1, G), lambda i: (0, 0)),
    out_shape=jax.ShapeDtypeStruct((1, G), jnp.float32),
    scratch_shapes=[
        pltpu.VMEM((1, G), jnp.float32),
        pltpu.VMEM((1, G), jnp.float32),
    ],
)


def kernel(x, edge_index, batch, W1, b1, W2, b2, Wfc, bfc):
    ei = edge_index.astype(jnp.int32)
    src3 = ei[0].reshape(NT, NCH, K)
    dst3 = ei[1].reshape(NT, NCH, K)
    src4 = ei[0].reshape(NT, NPH, PC, K)
    dst4 = ei[1].reshape(NT, NPH, PC, K)
    batch2 = batch.astype(jnp.int32).reshape(N, 1)

    ones1 = jnp.ones((K,), jnp.float32)
    zeros1 = jnp.zeros((16 * NPAD,), jnp.float32)
    zerosD = jnp.zeros((NPAD, D), jnp.float32)

    tile_off = (jnp.arange(NT, dtype=jnp.int32) % 16)[:, None, None] * NPAD
    h1 = _mmh(x, W1)
    deg_parts = _deg_kernel(dst3 + tile_off, ones1, zeros1)
    degT = deg_parts.reshape(NT, NPAD)[:, :N].T

    hs1, dinv = _scale(h1, degT)
    acc1 = _edge_kernel(hs1, src4, dst4, zerosD)
    hs2 = _mid(acc1, hs1, dinv, b1.reshape(1, D), W2)
    acc2 = _edge_kernel(hs2, src4, dst4, zerosD)
    out = _fin(acc2, hs2, dinv, b2.reshape(1, D),
               Wfc.reshape(1, D), bfc.reshape(1, 1), batch2)
    return out.reshape(G)

# --- scband reference (transcript-rebuilt; emitter-appended) ---
"""Pipeline reference for scband-gcnregressor-9242769621112 (READ-ONLY COPY).

The authoritative reference and input builder live on the scoring server;
editing this copy changes nothing except your own understanding.
"""

import jax, jax.numpy as jnp
import numpy as np

N_NODES = 10000
N_EDGES = 320000
D_IN = 128
D_HID = 128
N_GRAPHS = 64


def glorot(key, shape):
    fan_in, fan_out = shape[0], shape[1]
    limit = np.sqrt(6.0 / (fan_in + fan_out))
    return jax.random.uniform(key, shape, jnp.float32, -limit, limit)


def setup_inputs(seed: int = 0) -> dict:
    key = jax.random.key(seed)
    ks = jax.random.split(key, 10)
    x = jax.random.normal(ks[0], (N_NODES, D_IN), dtype=jnp.float32)
    edge_index = jax.random.randint(ks[1], (2, N_EDGES), 0, N_NODES, dtype=jnp.int64 if jax.config.jax_enable_x64 else jnp.int32)
    batch = jnp.sort(jax.random.randint(ks[2], (N_NODES,), 0, N_GRAPHS, dtype=jnp.int64 if jax.config.jax_enable_x64 else jnp.int32))
    W1 = glorot(ks[3], (D_IN, D_HID))
    b1 = jnp.zeros((D_HID,), jnp.float32)
    W2 = glorot(ks[4], (D_HID, D_HID))
    b2 = jnp.zeros((D_HID,), jnp.float32)
    Wfc = glorot(ks[5], (D_HID, 1))
    bfc = jnp.zeros((1,), jnp.float32)
    return {"x": x, "edge_index": edge_index, "batch": batch, "W1": W1, "b1": b1, "W2": W2, "b2": b2, "Wfc": Wfc, "bfc": bfc}


def gcn_conv(x, edge_index, W, b):
    num_nodes = x.shape[0]
    h = x @ W
    loop = jnp.arange(num_nodes, dtype=edge_index.dtype)
    src = jnp.concatenate([edge_index[0], loop])
    dst = jnp.concatenate([edge_index[1], loop])
    deg = jnp.zeros((num_nodes,), jnp.float32).at[dst].add(1.0)
    dinv = jnp.where(deg > 0, deg ** -0.5, 0.0)
    norm = dinv[src] * dinv[dst]
    msg = h[src] * norm[:, None]
    out = jnp.zeros_like(h).at[dst].add(msg)
    return out + b


def global_mean_pool(x, batch, num_graphs):
    sums = jax.ops.segment_sum(x, batch, num_segments=num_graphs)
    counts = jax.ops.segment_sum(jnp.ones((x.shape[0],), jnp.float32), batch, num_segments=num_graphs)
    return sums / jnp.maximum(counts, 1.0)[:, None]


def reference(x, edge_index, batch, W1, b1, W2, b2, Wfc, bfc):
    h = gcn_conv(x, edge_index, W1, b1)
    h = jax.nn.relu(h)
    h = gcn_conv(h, edge_index, W2, b2)
    h = jax.nn.relu(h)
    g = global_mean_pool(h, batch, N_GRAPHS)
    out = g @ Wfc + bfc
    return jnp.squeeze(out, axis=-1)

if __name__ == "__main__":
    import jax
    _d = setup_inputs()
    print(jax.jit(kernel)(*tuple(_d.values())))

</pallas_src>

<mosaic_0001>
#map = affine_map<(d0, d1) -> (0, 0, 0)>
#map1 = affine_map<(d0, d1) -> (0)>
#map2 = affine_map<(d0, d1) -> (0, 0)>
module attributes {stable_mosaic.version = 14 : i64} {
  func.func @_deg_kernel(%arg0: i32, %arg1: i32, %arg2: memref<32x125x80xi32, #tpu.memory_space<hbm>>, %arg3: memref<80xf32, #tpu.memory_space<hbm>>, %arg4: memref<163840xf32, #tpu.memory_space<hbm>>, %arg5: memref<2x163840xf32, #tpu.memory_space<hbm>>, %arg6: memref<125x80xi32, #tpu.memory_space<vmem>>, %arg7: memref<80xf32, #tpu.memory_space<vmem>>, %arg8: memref<163840xf32, #tpu.memory_space<vmem_shared>>) attributes {dimension_semantics = [#tpu.dimension_semantics<core_parallel>, #tpu.dimension_semantics<subcore_parallel>], iteration_bounds = array<i64: 2, 16>, scalar_prefetch = 0 : i64, scratch_operands = 3 : i64, tpu.core_type = #tpu.core_type<sc_vector_subcore>, window_params = [{transform_indices = #map}, {transform_indices = #map1}, {transform_indices = #map1}, {transform_indices = #map2}]} {
    %mul3A = arith.constant 16 : i32
    %mul3A_0 = arith.muli %arg0, %mul3A : i32
    %add3A = arith.addi %mul3A_0, %arg1 : i32
    %mul3A_1 = arith.constant 10240 : i32
    %mul3A_2 = arith.muli %arg1, %mul3A_1 : i32
    %multiple_of3A = tpu.assume_multiple %mul3A_2, 8 : i32
    "tpu.region"() ({
      %run_scoped3A = tpu.sem_alloc : memref<!tpu.dma_semaphore, #tpu.memory_space<semaphore_mem>>
      %dma_start3A = arith.constant 0 : i32
      %dma_start3A_9 = arith.constant 0 : i32
      %dma_start3A_10 = tpu.memref_slice %arg2[%add3A, %dma_start3A, %dma_start3A_9] : memref<32x125x80xi32, #tpu.memory_space<hbm>> -> memref<1x125x80xi32, #tpu.memory_space<hbm>>
      %dma_start3A_11 = tpu.memref_squeeze %dma_start3A_10 : memref<1x125x80xi32, #tpu.memory_space<hbm>> -> memref<125x80xi32, #tpu.memory_space<hbm>>
      %dma_start3A_12 = arith.constant 0 : i32
      %dma_start3A_13 = arith.constant 0 : i32
      %dma_start3A_14 = tpu.memref_slice %arg2[%add3A, %dma_start3A_12, %dma_start3A_13] : memref<32x125x80xi32, #tpu.memory_space<hbm>> -> memref<1x125x80xi32, #tpu.memory_space<hbm>>
      %dma_start3A_15 = tpu.memref_squeeze %dma_start3A_14 : memref<1x125x80xi32, #tpu.memory_space<hbm>> -> memref<125x80xi32, #tpu.memory_space<hbm>>
      tpu.enqueue_dma source(%dma_start3A_15 : memref<125x80xi32, #tpu.memory_space<hbm>>) target(%arg6 : memref<125x80xi32, #tpu.memory_space<vmem>>) target_semaphore(%run_scoped3A : memref<!tpu.dma_semaphore, #tpu.memory_space<semaphore_mem>>)
      %dma_wait3A = arith.constant 0 : i32
      %dma_wait3A_16 = arith.constant 0 : i32
      %dma_wait3A_17 = tpu.memref_slice %arg2[%add3A, %dma_wait3A, %dma_wait3A_16] : memref<32x125x80xi32, #tpu.memory_space<hbm>> -> memref<1x125x80xi32, #tpu.memory_space<hbm>>
      %dma_wait3A_18 = tpu.memref_squeeze %dma_wait3A_17 : memref<1x125x80xi32, #tpu.memory_space<hbm>> -> memref<125x80xi32, #tpu.memory_space<hbm>>
      %dma_wait3A_19 = arith.constant 0 : i32
      %dma_wait3A_20 = arith.constant 0 : i32
      %dma_wait3A_21 = tpu.memref_slice %arg2[%add3A, %dma_wait3A_19, %dma_wait3A_20] : memref<32x125x80xi32, #tpu.memory_space<hbm>> -> memref<1x125x80xi32, #tpu.memory_space<hbm>>
      %dma_wait3A_22 = tpu.memref_squeeze %dma_wait3A_21 : memref<1x125x80xi32, #tpu.memory_space<hbm>> -> memref<125x80xi32, #tpu.memory_space<hbm>>
      tpu.wait_dma2 semaphore(%run_scoped3A : memref<!tpu.dma_semaphore, #tpu.memory_space<semaphore_mem>>) src(%dma_wait3A_22 : memref<125x80xi32, #tpu.memory_space<hbm>>) dst(%arg6 : memref<125x80xi32, #tpu.memory_space<vmem>>)
      tpu.yield
    }) : () -> ()
    "tpu.region"() ({
      %run_scoped3A = tpu.sem_alloc : memref<!tpu.dma_semaphore, #tpu.memory_space<semaphore_mem>>
      tpu.enqueue_dma source(%arg3 : memref<80xf32, #tpu.memory_space<hbm>>) target(%arg7 : memref<80xf32, #tpu.memory_space<vmem>>) target_semaphore(%run_scoped3A : memref<!tpu.dma_semaphore, #tpu.memory_space<semaphore_mem>>)
      tpu.wait_dma2 semaphore(%run_scoped3A : memref<!tpu.dma_semaphore, #tpu.memory_space<semaphore_mem>>) src(%arg3 : memref<80xf32, #tpu.memory_space<hbm>>) dst(%arg7 : memref<80xf32, #tpu.memory_space<vmem>>)
      tpu.yield
    }) : () -> ()
    "tpu.region"() ({
      %run_scoped3A = tpu.sem_alloc : memref<!tpu.dma_semaphore, #tpu.memory_space<semaphore_mem>>
      %dma_start3A = tpu.memref_slice %arg8[%multiple_of3A] : memref<163840xf32, #tpu.memory_space<vmem_shared>> -> memref<10240xf32, #tpu.memory_space<vmem_shared>>
      %dma_start3A_9 = tpu.memref_slice %arg4[%multiple_of3A] : memref<163840xf32, #tpu.memory_space<hbm>> -> memref<10240xf32, #tpu.memory_space<hbm>>
      tpu.enqueue_dma source(%dma_start3A_9 : memref<10240xf32, #tpu.memory_space<hbm>>) target(%dma_start3A : memref<10240xf32, #tpu.memory_space<vmem_shared>>) target_semaphore(%run_scoped3A : memref<!tpu.dma_semaphore, #tpu.memory_space<semaphore_mem>>)
      %dma_wait3A = tpu.memref_slice %arg8[%multiple_of3A] : memref<163840xf32, #tpu.memory_space<vmem_shared>> -> memref<10240xf32, #tpu.memory_space<vmem_shared>>
      %dma_wait3A_10 = tpu.memref_slice %arg4[%multiple_of3A] : memref<163840xf32, #tpu.memory_space<hbm>> -> memref<10240xf32, #tpu.memory_space<hbm>>
      tpu.wait_dma2 semaphore(%run_scoped3A : memref<!tpu.dma_semaphore, #tpu.memory_space<semaphore_mem>>) src(%dma_wait3A_10 : memref<10240xf32, #tpu.memory_space<hbm>>) dst(%dma_wait3A : memref<10240xf32, #tpu.memory_space<vmem_shared>>)
      tpu.yield
    }) : () -> ()
    %barrier3A = arith.constant 0 : index
    tpu.barrier barrier_id(%barrier3A)
    %scan3A = arith.constant 0 : i32
    %scan3A_3 = arith.constant 0 : i32
    %scan3A_4 = arith.constant 125 : i32
    %scan3A_5 = arith.addi %scan3A_3, %scan3A_4 : i32
    %scan3A_6 = arith.constant 1 : i32
    scf.for %scan3A_9 = %scan3A_3 to %scan3A_5 step %scan3A_6  : i32 {
      "tpu.region"() ({
        %run_scoped3A = tpu.sem_alloc : memref<!tpu.dma_semaphore, #tpu.memory_space<semaphore_mem>>
        %dma_start3A = arith.constant 0 : i32
        %dma_start3A_10 = tpu.memref_slice %arg6[%scan3A_9, %dma_start3A] : memref<125x80xi32, #tpu.memory_space<vmem>> -> memref<1x80xi32, #tpu.memory_space<vmem>>
        %dma_start3A_11 = tpu.memref_squeeze %dma_start3A_10 : memref<1x80xi32, #tpu.memory_space<vmem>> -> memref<80xi32, #tpu.memory_space<vmem>>
        %dma_start3A_12 = arith.constant 0 : i32
        %dma_start3A_13 = tpu.memref_slice %arg8[%dma_start3A_12] : memref<163840xf32, #tpu.memory_space<vmem_shared>> -> memref<163840xf32, #tpu.memory_space<vmem_shared>>
        tpu.enqueue_indirect_dma source(%arg7 : memref<80xf32, #tpu.memory_space<vmem>>) target(%dma_start3A_13 : memref<163840xf32, #tpu.memory_space<vmem_shared>>) offsets(%dma_start3A_11 : memref<80xi32, #tpu.memory_space<vmem>>) semaphore(%run_scoped3A : memref<!tpu.dma_semaphore, #tpu.memory_space<semaphore_mem>>) {add = true}
        %dma_wait3A = arith.constant 0 : i32
        %dma_wait3A_14 = tpu.memref_slice %arg6[%scan3A_9, %dma_wait3A] : memref<125x80xi32, #tpu.memory_space<vmem>> -> memref<1x80xi32, #tpu.memory_space<vmem>>
        %dma_wait3A_15 = tpu.memref_squeeze %dma_wait3A_14 : memref<1x80xi32, #tpu.memory_space<vmem>> -> memref<80xi32, #tpu.memory_space<vmem>>
        %dma_wait3A_16 = arith.constant 0 : i32
        %dma_wait3A_17 = tpu.memref_slice %arg8[%dma_wait3A_16] : memref<163840xf32, #tpu.memory_space<vmem_shared>> -> memref<163840xf32, #tpu.memory_space<vmem_shared>>
        tpu.wait_indirect_dma semaphore(%run_scoped3A : memref<!tpu.dma_semaphore, #tpu.memory_space<semaphore_mem>>) src(%arg7 : memref<80xf32, #tpu.memory_space<vmem>>) dst(%dma_wait3A_17 : memref<163840xf32, #tpu.memory_space<vmem_shared>>)
        tpu.yield
      }) : () -> ()
    }
    %scan3A_7 = arith.constant 125 : i32
    %barrier3A_8 = arith.constant 0 : index
    tpu.barrier barrier_id(%barrier3A_8)
    "tpu.region"() ({
      %run_scoped3A = tpu.sem_alloc : memref<!tpu.dma_semaphore, #tpu.memory_space<semaphore_mem>>
      %dma_start3A = tpu.memref_slice %arg5[%arg0, %multiple_of3A] : memref<2x163840xf32, #tpu.memory_space<hbm>> -> memref<1x10240xf32, #tpu.memory_space<hbm>>
      %dma_start3A_9 = tpu.memref_squeeze %dma_start3A : memref<1x10240xf32, #tpu.memory_space<hbm>> -> memref<10240xf32, #tpu.memory_space<hbm>>
      %dma_start3A_10 = tpu.memref_slice %arg8[%multiple_of3A] : memref<163840xf32, #tpu.memory_space<vmem_shared>> -> memref<10240xf32, #tpu.memory_space<vmem_shared>>
      tpu.enqueue_dma source(%dma_start3A_10 : memref<10240xf32, #tpu.memory_space<vmem_shared>>) target(%dma_start3A_9 : memref<10240xf32, #tpu.memory_space<hbm>>) target_semaphore(%run_scoped3A : memref<!tpu.dma_semaphore, #tpu.memory_space<semaphore_mem>>)
      %dma_wait3A = tpu.memref_slice %arg5[%arg0, %multiple_of3A] : memref<2x163840xf32, #tpu.memory_space<hbm>> -> memref<1x10240xf32, #tpu.memory_space<hbm>>
      %dma_wait3A_11 = tpu.memref_squeeze %dma_wait3A : memref<1x10240xf32, #tpu.memory_space<hbm>> -> memref<10240xf32, #tpu.memory_space<hbm>>
      %dma_wait3A_12 = tpu.memref_slice %arg8[%multiple_of3A] : memref<163840xf32, #tpu.memory_space<vmem_shared>> -> memref<10240xf32, #tpu.memory_space<vmem_shared>>
      tpu.wait_dma2 semaphore(%run_scoped3A : memref<!tpu.dma_semaphore, #tpu.memory_space<semaphore_mem>>) src(%dma_wait3A_12 : memref<10240xf32, #tpu.memory_space<vmem_shared>>) dst(%dma_wait3A_11 : memref<10240xf32, #tpu.memory_space<hbm>>)
      tpu.yield
    }) : () -> ()
    return
  }
}

#map = affine_map<(d0, d1) -> (0, 0)>
#map1 = affine_map<(d0, d1) -> (0, 0, 0, 0)>
#map2 = affine_map<(d0, d1) -> (0, 0, 0)>
module attributes {stable_mosaic.version = 14 : i64} {
  func.func @_edge_kernel(%arg0: i32, %arg1: i32, %arg2: memref<10000x128xf32, #tpu.memory_space<hbm>>, %arg3: memref<32x5x25x80xi32, #tpu.memory_space<hbm>>, %arg4: memref<32x5x25x80xi32, #tpu.memory_space<hbm>>, %arg5: memref<10240x128xf32, #tpu.memory_space<hbm>>, %arg6: memref<2x10240x128xf32, #tpu.memory_space<hbm>>, %arg7: memref<25x80xi32, #tpu.memory_space<vmem>>, %arg8: memref<25x80xi32, #tpu.memory_space<vmem>>, %arg9: memref<80x128xf32, #tpu.memory_space<vmem>>, %arg10: memref<80x128xf32, #tpu.memory_space<vmem>>, %arg11: memref<10240x128xf32, #tpu.memory_space<vmem_shared>>, %arg12: memref<!tpu.dma_semaphore, #tpu.memory_space<semaphore_mem>>, %arg13: memref<!tpu.dma_semaphore, #tpu.memory_space<semaphore_mem>>) attributes {dimension_semantics = [#tpu.dimension_semantics<core_parallel>, #tpu.dimension_semantics<subcore_parallel>], iteration_bounds = array<i64: 2, 16>, scalar_prefetch = 0 : i64, scratch_operands = 7 : i64, tpu.core_type = #tpu.core_type<sc_vector_subcore>, window_params = [{transform_indices = #map}, {transform_indices = #map1}, {transform_indices = #map1}, {transform_indices = #map}, {transform_indices = #map2}]} {
    %mul3A = arith.constant 16 : i32
    %mul3A_0 = arith.muli %arg0, %mul3A : i32
    %add3A = arith.addi %mul3A_0, %arg1 : i32
    %mul3A_1 = arith.constant 640 : i32
    %mul3A_2 = arith.muli %arg1, %mul3A_1 : i32
    %mul3A_3 = arith.constant 640 : i32
    %mul3A_4 = arith.muli %arg1, %mul3A_3 : i32
    "tpu.region"() ({
      %run_scoped3A = tpu.sem_alloc : memref<!tpu.dma_semaphore, #tpu.memory_space<semaphore_mem>>
      %dma_start3A = arith.constant 0 : i32
      %dma_start3A_15 = tpu.memref_slice %arg11[%mul3A_4, %dma_start3A] : memref<10240x128xf32, #tpu.memory_space<vmem_shared>> -> memref<640x128xf32, #tpu.memory_space<vmem_shared>>
      %dma_start3A_16 = arith.constant 0 : i32
      %dma_start3A_17 = tpu.memref_slice %arg5[%mul3A_2, %dma_start3A_16] : memref<10240x128xf32, #tpu.memory_space<hbm>> -> memref<640x128xf32, #tpu.memory_space<hbm>>
      tpu.enqueue_dma source(%dma_start3A_17 : memref<640x128xf32, #tpu.memory_space<hbm>>) target(%dma_start3A_15 : memref<640x128xf32, #tpu.memory_space<vmem_shared>>) target_semaphore(%run_scoped3A : memref<!tpu.dma_semaphore, #tpu.memory_space<semaphore_mem>>)
      %dma_wait3A = arith.constant 0 : i32
      %dma_wait3A_18 = tpu.memref_slice %arg11[%mul3A_4, %dma_wait3A] : memref<10240x128xf32, #tpu.memory_space<vmem_shared>> -> memref<640x128xf32, #tpu.memory_space<vmem_shared>>
      %dma_wait3A_19 = arith.constant 0 : i32
      %dma_wait3A_20 = tpu.memref_slice %arg5[%mul3A_2, %dma_wait3A_19] : memref<10240x128xf32, #tpu.memory_space<hbm>> -> memref<640x128xf32, #tpu.memory_space<hbm>>
      tpu.wait_dma2 semaphore(%run_scoped3A : memref<!tpu.dma_semaphore, #tpu.memory_space<semaphore_mem>>) src(%dma_wait3A_20 : memref<640x128xf32, #tpu.memory_space<hbm>>) dst(%dma_wait3A_18 : memref<640x128xf32, #tpu.memory_space<vmem_shared>>)
      tpu.yield
    }) : () -> ()
    %barrier3A = arith.constant 0 : index
    tpu.barrier barrier_id(%barrier3A)
    %scan3A = arith.constant 0 : i32
    %scan3A_5 = arith.constant 0 : i32
    %scan3A_6 = arith.constant 5 : i32
    %scan3A_7 = arith.addi %scan3A_5, %scan3A_6 : i32
    %scan3A_8 = arith.constant 1 : i32
    scf.for %scan3A_15 = %scan3A_5 to %scan3A_7 step %scan3A_8  : i32 {
      "tpu.region"() ({
        %run_scoped3A_41 = tpu.sem_alloc : memref<!tpu.dma_semaphore, #tpu.memory_space<semaphore_mem>>
        %dma_start3A_42 = arith.constant 0 : i32
        %dma_start3A_43 = arith.constant 0 : i32
        %dma_start3A_44 = tpu.memref_slice %arg3[%add3A, %scan3A_15, %dma_start3A_42, %dma_start3A_43] : memref<32x5x25x80xi32, #tpu.memory_space<hbm>> -> memref<1x1x25x80xi32, #tpu.memory_space<hbm>>
        %dma_start3A_45 = tpu.memref_squeeze %dma_start3A_44 : memref<1x1x25x80xi32, #tpu.memory_space<hbm>> -> memref<25x80xi32, #tpu.memory_space<hbm>>
        %dma_start3A_46 = arith.constant 0 : i32
        %dma_start3A_47 = arith.constant 0 : i32
        %dma_start3A_48 = tpu.memref_slice %arg3[%add3A, %scan3A_15, %dma_start3A_46, %dma_start3A_47] : memref<32x5x25x80xi32, #tpu.memory_space<hbm>> -> memref<1x1x25x80xi32, #tpu.memory_space<hbm>>
        %dma_start3A_49 = tpu.memref_squeeze %dma_start3A_48 : memref<1x1x25x80xi32, #tpu.memory_space<hbm>> -> memref<25x80xi32, #tpu.memory_space<hbm>>
        tpu.enqueue_dma source(%dma_start3A_49 : memref<25x80xi32, #tpu.memory_space<hbm>>) target(%arg7 : memref<25x80xi32, #tpu.memory_space<vmem>>) target_semaphore(%run_scoped3A_41 : memref<!tpu.dma_semaphore, #tpu.memory_space<semaphore_mem>>)
        %dma_wait3A_50 = arith.constant 0 : i32
        %dma_wait3A_51 = arith.constant 0 : i32
        %dma_wait3A_52 = tpu.memref_slice %arg3[%add3A, %scan3A_15, %dma_wait3A_50, %dma_wait3A_51] : memref<32x5x25x80xi32, #tpu.memory_space<hbm>> -> memref<1x1x25x80xi32, #tpu.memory_space<hbm>>
        %dma_wait3A_53 = tpu.memref_squeeze %dma_wait3A_52 : memref<1x1x25x80xi32, #tpu.memory_space<hbm>> -> memref<25x80xi32, #tpu.memory_space<hbm>>
        %dma_wait3A_54 = arith.constant 0 : i32
        %dma_wait3A_55 = arith.constant 0 : i32
        %dma_wait3A_56 = tpu.memref_slice %arg3[%add3A, %scan3A_15, %dma_wait3A_54, %dma_wait3A_55] : memref<32x5x25x80xi32, #tpu.memory_space<hbm>> -> memref<1x1x25x80xi32, #tpu.memory_space<hbm>>
        %dma_wait3A_57 = tpu.memref_squeeze %dma_wait3A_56 : memref<1x1x25x80xi32, #tpu.memory_space<hbm>> -> memref<25x80xi32, #tpu.memory_space<hbm>>
        tpu.wait_dma2 semaphore(%run_scoped3A_41 : memref<!tpu.dma_semaphore, #tpu.memory_space<semaphore_mem>>) src(%dma_wait3A_57 : memref<25x80xi32, #tpu.memory_space<hbm>>) dst(%arg7 : memref<25x80xi32, #tpu.memory_space<vmem>>)
        tpu.yield
      }) : () -> ()
      "tpu.region"() ({
        %run_scoped3A_41 = tpu.sem_alloc : memref<!tpu.dma_semaphore, #tpu.memory_space<semaphore_mem>>
        %dma_start3A_42 = arith.constant 0 : i32
        %dma_start3A_43 = arith.constant 0 : i32
        %dma_start3A_44 = tpu.memref_slice %arg4[%add3A, %scan3A_15, %dma_start3A_42, %dma_start3A_43] : memref<32x5x25x80xi32, #tpu.memory_space<hbm>> -> memref<1x1x25x80xi32, #tpu.memory_space<hbm>>
        %dma_start3A_45 = tpu.memref_squeeze %dma_start3A_44 : memref<1x1x25x80xi32, #tpu.memory_space<hbm>> -> memref<25x80xi32, #tpu.memory_space<hbm>>
        %dma_start3A_46 = arith.constant 0 : i32
        %dma_start3A_47 = arith.constant 0 : i32
        %dma_start3A_48 = tpu.memref_slice %arg4[%add3A, %scan3A_15, %dma_start3A_46, %dma_start3A_47] : memref<32x5x25x80xi32, #tpu.memory_space<hbm>> -> memref<1x1x25x80xi32, #tpu.memory_space<hbm>>
        %dma_start3A_49 = tpu.memref_squeeze %dma_start3A_48 : memref<1x1x25x80xi32, #tpu.memory_space<hbm>> -> memref<25x80xi32, #tpu.memory_space<hbm>>
        tpu.enqueue_dma source(%dma_start3A_49 : memref<25x80xi32, #tpu.memory_space<hbm>>) target(%arg8 : memref<25x80xi32, #tpu.memory_space<vmem>>) target_semaphore(%run_scoped3A_41 : memref<!tpu.dma_semaphore, #tpu.memory_space<semaphore_mem>>)
        %dma_wait3A_50 = arith.constant 0 : i32
        %dma_wait3A_51 = arith.constant 0 : i32
        %dma_wait3A_52 = tpu.memref_slice %arg4[%add3A, %scan3A_15, %dma_wait3A_50, %dma_wait3A_51] : memref<32x5x25x80xi32, #tpu.memory_space<hbm>> -> memref<1x1x25x80xi32, #tpu.memory_space<hbm>>
        %dma_wait3A_53 = tpu.memref_squeeze %dma_wait3A_52 : memref<1x1x25x80xi32, #tpu.memory_space<hbm>> -> memref<25x80xi32, #tpu.memory_space<hbm>>
        %dma_wait3A_54 = arith.constant 0 : i32
        %dma_wait3A_55 = arith.constant 0 : i32
        %dma_wait3A_56 = tpu.memref_slice %arg4[%add3A, %scan3A_15, %dma_wait3A_54, %dma_wait3A_55] : memref<32x5x25x80xi32, #tpu.memory_space<hbm>> -> memref<1x1x25x80xi32, #tpu.memory_space<hbm>>
        %dma_wait3A_57 = tpu.memref_squeeze %dma_wait3A_56 : memref<1x1x25x80xi32, #tpu.memory_space<hbm>> -> memref<25x80xi32, #tpu.memory_space<hbm>>
        tpu.wait_dma2 semaphore(%run_scoped3A_41 : memref<!tpu.dma_semaphore, #tpu.memory_space<semaphore_mem>>) src(%dma_wait3A_57 : memref<25x80xi32, #tpu.memory_space<hbm>>) dst(%arg8 : memref<25x80xi32, #tpu.memory_space<vmem>>)
        tpu.yield
      }) : () -> ()
      %dma_start3A = arith.constant 0 : i32
      %dma_start3A_16 = arith.constant 0 : i32
      %dma_start3A_17 = tpu.memref_slice %arg7[%dma_start3A, %dma_start3A_16] : memref<25x80xi32, #tpu.memory_space<vmem>> -> memref<1x80xi32, #tpu.memory_space<vmem>>
      %dma_start3A_18 = tpu.memref_squeeze %dma_start3A_17 : memref<1x80xi32, #tpu.memory_space<vmem>> -> memref<80xi32, #tpu.memory_space<vmem>>
      %dma_start3A_19 = arith.constant 0 : i32
      %dma_start3A_20 = arith.constant 0 : i32
      %dma_start3A_21 = tpu.memref_slice %arg2[%dma_start3A_19, %dma_start3A_20] : memref<10000x128xf32, #tpu.memory_space<hbm>> -> memref<10000x128xf32, #tpu.memory_space<hbm>>
      tpu.enqueue_indirect_dma source(%dma_start3A_21 : memref<10000x128xf32, #tpu.memory_space<hbm>>) target(%arg9 : memref<80x128xf32, #tpu.memory_space<vmem>>) offsets(%dma_start3A_18 : memref<80xi32, #tpu.memory_space<vmem>>) semaphore(%arg12 : memref<!tpu.dma_semaphore, #tpu.memory_space<semaphore_mem>>)
      %scan3A_22 = arith.constant 0 : i32
      %scan3A_23 = arith.constant 0 : i32
      %scan3A_24 = arith.constant 12 : i32
      %scan3A_25 = arith.addi %scan3A_23, %scan3A_24 : i32
      %scan3A_26 = arith.constant 1 : i32
      scf.for %scan3A_41 = %scan3A_23 to %scan3A_25 step %scan3A_26  : i32 {
        %mul3A_42 = arith.constant 2 : i32
        %mul3A_43 = arith.muli %mul3A_42, %scan3A_41 : i32
        %add3A_44 = arith.constant 1 : i32
        %add3A_45 = arith.addi %mul3A_43, %add3A_44 : i32
        %dma_start3A_46 = arith.constant 0 : i32
        %dma_start3A_47 = tpu.memref_slice %arg7[%add3A_45, %dma_start3A_46] : memref<25x80xi32, #tpu.memory_space<vmem>> -> memref<1x80xi32, #tpu.memory_space<vmem>>
        %dma_start3A_48 = tpu.memref_squeeze %dma_start3A_47 : memref<1x80xi32, #tpu.memory_space<vmem>> -> memref<80xi32, #tpu.memory_space<vmem>>
        %dma_start3A_49 = arith.constant 0 : i32
        %dma_start3A_50 = arith.constant 0 : i32
        %dma_start3A_51 = tpu.memref_slice %arg2[%dma_start3A_49, %dma_start3A_50] : memref<10000x128xf32, #tpu.memory_space<hbm>> -> memref<10000x128xf32, #tpu.memory_space<hbm>>
        tpu.enqueue_indirect_dma source(%dma_start3A_51 : memref<10000x128xf32, #tpu.memory_space<hbm>>) target(%arg10 : memref<80x128xf32, #tpu.memory_space<vmem>>) offsets(%dma_start3A_48 : memref<80xi32, #tpu.memory_space<vmem>>) semaphore(%arg13 : memref<!tpu.dma_semaphore, #tpu.memory_space<semaphore_mem>>)
        %dma_wait3A_52 = arith.constant 0 : i32
        %dma_wait3A_53 = tpu.memref_slice %arg7[%mul3A_43, %dma_wait3A_52] : memref<25x80xi32, #tpu.memory_space<vmem>> -> memref<1x80xi32, #tpu.memory_space<vmem>>
        %dma_wait3A_54 = tpu.memref_squeeze %dma_wait3A_53 : memref<1x80xi32, #tpu.memory_space<vmem>> -> memref<80xi32, #tpu.memory_space<vmem>>
        %dma_wait3A_55 = arith.constant 0 : i32
        %dma_wait3A_56 = arith.constant 0 : i32
        %dma_wait3A_57 = tpu.memref_slice %arg2[%dma_wait3A_55, %dma_wait3A_56] : memref<10000x128xf32, #tpu.memory_space<hbm>> -> memref<10000x128xf32, #tpu.memory_space<hbm>>
        tpu.wait_indirect_dma semaphore(%arg12 : memref<!tpu.dma_semaphore, #tpu.memory_space<semaphore_mem>>) src(%dma_wait3A_57 : memref<10000x128xf32, #tpu.memory_space<hbm>>) dst(%arg9 : memref<80x128xf32, #tpu.memory_space<vmem>>)
        "tpu.region"() ({
          %run_scoped3A_66 = tpu.sem_alloc : memref<!tpu.dma_semaphore, #tpu.memory_space<semaphore_mem>>
          %dma_start3A_67 = arith.constant 0 : i32
          %dma_start3A_68 = tpu.memref_slice %arg8[%mul3A_43, %dma_start3A_67] : memref<25x80xi32, #tpu.memory_space<vmem>> -> memref<1x80xi32, #tpu.memory_space<vmem>>
          %dma_start3A_69 = tpu.memref_squeeze %dma_start3A_68 : memref<1x80xi32, #tpu.memory_space<vmem>> -> memref<80xi32, #tpu.memory_space<vmem>>
          %dma_start3A_70 = arith.constant 0 : i32
          %dma_start3A_71 = arith.constant 0 : i32
          %dma_start3A_72 = tpu.memref_slice %arg11[%dma_start3A_70, %dma_start3A_71] : memref<10240x128xf32, #tpu.memory_space<vmem_shared>> -> memref<10240x128xf32, #tpu.memory_space<vmem_shared>>
          tpu.enqueue_indirect_dma source(%arg9 : memref<80x128xf32, #tpu.memory_space<vmem>>) target(%dma_start3A_72 : memref<10240x128xf32, #tpu.memory_space<vmem_shared>>) offsets(%dma_start3A_69 : memref<80xi32, #tpu.memory_space<vmem>>) semaphore(%run_scoped3A_66 : memref<!tpu.dma_semaphore, #tpu.memory_space<semaphore_mem>>) {add = true}
          %dma_wait3A_73 = arith.constant 0 : i32
          %dma_wait3A_74 = tpu.memref_slice %arg8[%mul3A_43, %dma_wait3A_73] : memref<25x80xi32, #tpu.memory_space<vmem>> -> memref<1x80xi32, #tpu.memory_space<vmem>>
          %dma_wait3A_75 = tpu.memref_squeeze %dma_wait3A_74 : memref<1x80xi32, #tpu.memory_space<vmem>> -> memref<80xi32, #tpu.memory_space<vmem>>
          %dma_wait3A_76 = arith.constant 0 : i32
          %dma_wait3A_77 = arith.constant 0 : i32
          %dma_wait3A_78 = tpu.memref_slice %arg11[%dma_wait3A_76, %dma_wait3A_77] : memref<10240x128xf32, #tpu.memory_space<vmem_shared>> -> memref<10240x128xf32, #tpu.memory_space<vmem_shared>>
          tpu.wait_indirect_dma semaphore(%run_scoped3A_66 : memref<!tpu.dma_semaphore, #tpu.memory_space<semaphore_mem>>) src(%arg9 : memref<80x128xf32, #tpu.memory_space<vmem>>) dst(%dma_wait3A_78 : memref<10240x128xf32, #tpu.memory_space<vmem_shared>>)
          tpu.yield
        }) : () -> ()
        %lt3A = arith.constant 11 : i32
        %lt3A_58 = arith.cmpi slt, %scan3A_41, %lt3A : i32
        %convert_element_type3A = arith.extui %lt3A_58 : i1 to i32
        %cond3A = arith.constant 0 : i32
        %cond3A_59 = arith.cmpi ne, %convert_element_type3A, %cond3A : i32
        scf.if %cond3A_59 {
          %add3A_66 = arith.constant 2 : i32
          %add3A_67 = arith.addi %mul3A_43, %add3A_66 : i32
          %dma_start3A_68 = arith.constant 0 : i32
          %dma_start3A_69 = tpu.memref_slice %arg7[%add3A_67, %dma_start3A_68] : memref<25x80xi32, #tpu.memory_space<vmem>> -> memref<1x80xi32, #tpu.memory_space<vmem>>
          %dma_start3A_70 = tpu.memref_squeeze %dma_start3A_69 : memref<1x80xi32, #tpu.memory_space<vmem>> -> memref<80xi32, #tpu.memory_space<vmem>>
          %dma_start3A_71 = arith.constant 0 : i32
          %dma_start3A_72 = arith.constant 0 : i32
          %dma_start3A_73 = tpu.memref_slice %arg2[%dma_start3A_71, %dma_start3A_72] : memref<10000x128xf32, #tpu.memory_space<hbm>> -> memref<10000x128xf32, #tpu.memory_space<hbm>>
          tpu.enqueue_indirect_dma source(%dma_start3A_73 : memref<10000x128xf32, #tpu.memory_space<hbm>>) target(%arg9 : memref<80x128xf32, #tpu.memory_space<vmem>>) offsets(%dma_start3A_70 : memref<80xi32, #tpu.memory_space<vmem>>) semaphore(%arg12 : memref<!tpu.dma_semaphore, #tpu.memory_space<semaphore_mem>>)
        } else {
        }
        %dma_wait3A_60 = arith.constant 0 : i32
        %dma_wait3A_61 = tpu.memref_slice %arg7[%add3A_45, %dma_wait3A_60] : memref<25x80xi32, #tpu.memory_space<vmem>> -> memref<1x80xi32, #tpu.memory_space<vmem>>
        %dma_wait3A_62 = tpu.memref_squeeze %dma_wait3A_61 : memref<1x80xi32, #tpu.memory_space<vmem>> -> memref<80xi32, #tpu.memory_space<vmem>>
        %dma_wait3A_63 = arith.constant 0 : i32
        %dma_wait3A_64 = arith.constant 0 : i32
        %dma_wait3A_65 = tpu.memref_slice %arg2[%dma_wait3A_63, %dma_wait3A_64] : memref<10000x128xf32, #tpu.memory_space<hbm>> -> memref<10000x128xf32, #tpu.memory_space<hbm>>
        tpu.wait_indirect_dma semaphore(%arg13 : memref<!tpu.dma_semaphore, #tpu.memory_space<semaphore_mem>>) src(%dma_wait3A_65 : memref<10000x128xf32, #tpu.memory_space<hbm>>) dst(%arg10 : memref<80x128xf32, #tpu.memory_space<vmem>>)
        "tpu.region"() ({
          %run_scoped3A_66 = tpu.sem_alloc : memref<!tpu.dma_semaphore, #tpu.memory_space<semaphore_mem>>
          %dma_start3A_67 = arith.constant 0 : i32
          %dma_start3A_68 = tpu.memref_slice %arg8[%add3A_45, %dma_start3A_67] : memref<25x80xi32, #tpu.memory_space<vmem>> -> memref<1x80xi32, #tpu.memory_space<vmem>>
          %dma_start3A_69 = tpu.memref_squeeze %dma_start3A_68 : memref<1x80xi32, #tpu.memory_space<vmem>> -> memref<80xi32, #tpu.memory_space<vmem>>
          %dma_start3A_70 = arith.constant 0 : i32
          %dma_start3A_71 = arith.constant 0 : i32
          %dma_start3A_72 = tpu.memref_slice %arg11[%dma_start3A_70, %dma_start3A_71] : memref<10240x128xf32, #tpu.memory_space<vmem_shared>> -> memref<10240x128xf32, #tpu.memory_space<vmem_shared>>
          tpu.enqueue_indirect_dma source(%arg10 : memref<80x128xf32, #tpu.memory_space<vmem>>) target(%dma_start3A_72 : memref<10240x128xf32, #tpu.memory_space<vmem_shared>>) offsets(%dma_start3A_69 : memref<80xi32, #tpu.memory_space<vmem>>) semaphore(%run_scoped3A_66 : memref<!tpu.dma_semaphore, #tpu.memory_space<semaphore_mem>>) {add = true}
          %dma_wait3A_73 = arith.constant 0 : i32
          %dma_wait3A_74 = tpu.memref_slice %arg8[%add3A_45, %dma_wait3A_73] : memref<25x80xi32, #tpu.memory_space<vmem>> -> memref<1x80xi32, #tpu.memory_space<vmem>>
          %dma_wait3A_75 = tpu.memref_squeeze %dma_wait3A_74 : memref<1x80xi32, #tpu.memory_space<vmem>> -> memref<80xi32, #tpu.memory_space<vmem>>
          %dma_wait3A_76 = arith.constant 0 : i32
          %dma_wait3A_77 = arith.constant 0 : i32
          %dma_wait3A_78 = tpu.memref_slice %arg11[%dma_wait3A_76, %dma_wait3A_77] : memref<10240x128xf32, #tpu.memory_space<vmem_shared>> -> memref<10240x128xf32, #tpu.memory_space<vmem_shared>>
          tpu.wait_indirect_dma semaphore(%run_scoped3A_66 : memref<!tpu.dma_semaphore, #tpu.memory_space<semaphore_mem>>) src(%arg10 : memref<80x128xf32, #tpu.memory_space<vmem>>) dst(%dma_wait3A_78 : memref<10240x128xf32, #tpu.memory_space<vmem_shared>>)
          tpu.yield
        }) : () -> ()
      }
      %scan3A_27 = arith.constant 12 : i32
      %dma_start3A_28 = arith.constant 24 : i32
      %dma_start3A_29 = arith.constant 0 : i32
      %dma_start3A_30 = tpu.memref_slice %arg7[%dma_start3A_28, %dma_start3A_29] : memref<25x80xi32, #tpu.memory_space<vmem>> -> memref<1x80xi32, #tpu.memory_space<vmem>>
      %dma_start3A_31 = tpu.memref_squeeze %dma_start3A_30 : memref<1x80xi32, #tpu.memory_space<vmem>> -> memref<80xi32, #tpu.memory_space<vmem>>
      %dma_start3A_32 = arith.constant 0 : i32
      %dma_start3A_33 = arith.constant 0 : i32
      %dma_start3A_34 = tpu.memref_slice %arg2[%dma_start3A_32, %dma_start3A_33] : memref<10000x128xf32, #tpu.memory_space<hbm>> -> memref<10000x128xf32, #tpu.memory_space<hbm>>
      tpu.enqueue_indirect_dma source(%dma_start3A_34 : memref<10000x128xf32, #tpu.memory_space<hbm>>) target(%arg9 : memref<80x128xf32, #tpu.memory_space<vmem>>) offsets(%dma_start3A_31 : memref<80xi32, #tpu.memory_space<vmem>>) semaphore(%arg12 : memref<!tpu.dma_semaphore, #tpu.memory_space<semaphore_mem>>)
      %dma_wait3A = arith.constant 24 : i32
      %dma_wait3A_35 = arith.constant 0 : i32
      %dma_wait3A_36 = tpu.memref_slice %arg7[%dma_wait3A, %dma_wait3A_35] : memref<25x80xi32, #tpu.memory_space<vmem>> -> memref<1x80xi32, #tpu.memory_space<vmem>>
      %dma_wait3A_37 = tpu.memref_squeeze %dma_wait3A_36 : memref<1x80xi32, #tpu.memory_space<vmem>> -> memref<80xi32, #tpu.memory_space<vmem>>
      %dma_wait3A_38 = arith.constant 0 : i32
      %dma_wait3A_39 = arith.constant 0 : i32
      %dma_wait3A_40 = tpu.memref_slice %arg2[%dma_wait3A_38, %dma_wait3A_39] : memref<10000x128xf32, #tpu.memory_space<hbm>> -> memref<10000x128xf32, #tpu.memory_space<hbm>>
      tpu.wait_indirect_dma semaphore(%arg12 : memref<!tpu.dma_semaphore, #tpu.memory_space<semaphore_mem>>) src(%dma_wait3A_40 : memref<10000x128xf32, #tpu.memory_space<hbm>>) dst(%arg9 : memref<80x128xf32, #tpu.memory_space<vmem>>)
      %run_scoped3A = arith.constant 24 : i32
      "tpu.region"() ({
        %run_scoped3A_41 = tpu.sem_alloc : memref<!tpu.dma_semaphore, #tpu.memory_space<semaphore_mem>>
        %dma_start3A_42 = arith.constant 0 : i32
        %dma_start3A_43 = tpu.memref_slice %arg8[%run_scoped3A, %dma_start3A_42] : memref<25x80xi32, #tpu.memory_space<vmem>> -> memref<1x80xi32, #tpu.memory_space<vmem>>
        %dma_start3A_44 = tpu.memref_squeeze %dma_start3A_43 : memref<1x80xi32, #tpu.memory_space<vmem>> -> memref<80xi32, #tpu.memory_space<vmem>>
        %dma_start3A_45 = arith.constant 0 : i32
        %dma_start3A_46 = arith.constant 0 : i32
        %dma_start3A_47 = tpu.memref_slice %arg11[%dma_start3A_45, %dma_start3A_46] : memref<10240x128xf32, #tpu.memory_space<vmem_shared>> -> memref<10240x128xf32, #tpu.memory_space<vmem_shared>>
        tpu.enqueue_indirect_dma source(%arg9 : memref<80x128xf32, #tpu.memory_space<vmem>>) target(%dma_start3A_47 : memref<10240x128xf32, #tpu.memory_space<vmem_shared>>) offsets(%dma_start3A_44 : memref<80xi32, #tpu.memory_space<vmem>>) semaphore(%run_scoped3A_41 : memref<!tpu.dma_semaphore, #tpu.memory_space<semaphore_mem>>) {add = true}
        %dma_wait3A_48 = arith.constant 0 : i32
        %dma_wait3A_49 = tpu.memref_slice %arg8[%run_scoped3A, %dma_wait3A_48] : memref<25x80xi32, #tpu.memory_space<vmem>> -> memref<1x80xi32, #tpu.memory_space<vmem>>
        %dma_wait3A_50 = tpu.memref_squeeze %dma_wait3A_49 : memref<1x80xi32, #tpu.memory_space<vmem>> -> memref<80xi32, #tpu.memory_space<vmem>>
        %dma_wait3A_51 = arith.constant 0 : i32
        %dma_wait3A_52 = arith.constant 0 : i32
        %dma_wait3A_53 = tpu.memref_slice %arg11[%dma_wait3A_51, %dma_wait3A_52] : memref<10240x128xf32, #tpu.memory_space<vmem_shared>> -> memref<10240x128xf32, #tpu.memory_space<vmem_shared>>
        tpu.wait_indirect_dma semaphore(%run_scoped3A_41 : memref<!tpu.dma_semaphore, #tpu.memory_space<semaphore_mem>>) src(%arg9 : memref<80x128xf32, #tpu.memory_space<vmem>>) dst(%dma_wait3A_53 : memref<10240x128xf32, #tpu.memory_space<vmem_shared>>)
        tpu.yield
      }) : () -> ()
    }
    %scan3A_9 = arith.constant 5 : i32
    %barrier3A_10 = arith.constant 0 : index
    tpu.barrier barrier_id(%barrier3A_10)
    %mul3A_11 = arith.constant 640 : i32
    %mul3A_12 = arith.muli %arg1, %mul3A_11 : i32
    %mul3A_13 = arith.constant 640 : i32
    %mul3A_14 = arith.muli %arg1, %mul3A_13 : i32
    "tpu.region"() ({
      %run_scoped3A = tpu.sem_alloc : memref<!tpu.dma_semaphore, #tpu.memory_space<semaphore_mem>>
      %dma_start3A = arith.constant 0 : i32
      %dma_start3A_15 = tpu.memref_slice %arg6[%arg0, %mul3A_14, %dma_start3A] : memref<2x10240x128xf32, #tpu.memory_space<hbm>> -> memref<1x640x128xf32, #tpu.memory_space<hbm>>
      %dma_start3A_16 = tpu.memref_squeeze %dma_start3A_15 : memref<1x640x128xf32, #tpu.memory_space<hbm>> -> memref<640x128xf32, #tpu.memory_space<hbm>>
      %dma_start3A_17 = arith.constant 0 : i32
      %dma_start3A_18 = tpu.memref_slice %arg11[%mul3A_12, %dma_start3A_17] : memref<10240x128xf32, #tpu.memory_space<vmem_shared>> -> memref<640x128xf32, #tpu.memory_space<vmem_shared>>
      tpu.enqueue_dma source(%dma_start3A_18 : memref<640x128xf32, #tpu.memory_space<vmem_shared>>) target(%dma_start3A_16 : memref<640x128xf32, #tpu.memory_space<hbm>>) target_semaphore(%run_scoped3A : memref<!tpu.dma_semaphore, #tpu.memory_space<semaphore_mem>>)
      %dma_wait3A = arith.constant 0 : i32
      %dma_wait3A_19 = tpu.memref_slice %arg6[%arg0, %mul3A_14, %dma_wait3A] : memref<2x10240x128xf32, #tpu.memory_space<hbm>> -> memref<1x640x128xf32, #tpu.memory_space<hbm>>
      %dma_wait3A_20 = tpu.memref_squeeze %dma_wait3A_19 : memref<1x640x128xf32, #tpu.memory_space<hbm>> -> memref<640x128xf32, #tpu.memory_space<hbm>>
      %dma_wait3A_21 = arith.constant 0 : i32
      %dma_wait3A_22 = tpu.memref_slice %arg11[%mul3A_12, %dma_wait3A_21] : memref<10240x128xf32, #tpu.memory_space<vmem_shared>> -> memref<640x128xf32, #tpu.memory_space<vmem_shared>>
      tpu.wait_dma2 semaphore(%run_scoped3A : memref<!tpu.dma_semaphore, #tpu.memory_space<semaphore_mem>>) src(%dma_wait3A_22 : memref<640x128xf32, #tpu.memory_space<vmem_shared>>) dst(%dma_wait3A_20 : memref<640x128xf32, #tpu.memory_space<hbm>>)
      tpu.yield
    }) : () -> ()
    return
  }
}

#map = affine_map<(d0, d1) -> (0, 0)>
#map1 = affine_map<(d0, d1) -> (0, 0, 0, 0)>
#map2 = affine_map<(d0, d1) -> (0, 0, 0)>
module attributes {stable_mosaic.version = 14 : i64} {
  func.func @_edge_kernel(%arg0: i32, %arg1: i32, %arg2: memref<10000x128xf32, #tpu.memory_space<hbm>>, %arg3: memref<32x5x25x80xi32, #tpu.memory_space<hbm>>, %arg4: memref<32x5x25x80xi32, #tpu.memory_space<hbm>>, %arg5: memref<10240x128xf32, #tpu.memory_space<hbm>>, %arg6: memref<2x10240x128xf32, #tpu.memory_space<hbm>>, %arg7: memref<25x80xi32, #tpu.memory_space<vmem>>, %arg8: memref<25x80xi32, #tpu.memory_space<vmem>>, %arg9: memref<80x128xf32, #tpu.memory_space<vmem>>, %arg10: memref<80x128xf32, #tpu.memory_space<vmem>>, %arg11: memref<10240x128xf32, #tpu.memory_space<vmem_shared>>, %arg12: memref<!tpu.dma_semaphore, #tpu.memory_space<semaphore_mem>>, %arg13: memref<!tpu.dma_semaphore, #tpu.memory_space<semaphore_mem>>) attributes {dimension_semantics = [#tpu.dimension_semantics<core_parallel>, #tpu.dimension_semantics<subcore_parallel>], iteration_bounds = array<i64: 2, 16>, scalar_prefetch = 0 : i64, scratch_operands = 7 : i64, tpu.core_type = #tpu.core_type<sc_vector_subcore>, window_params = [{transform_indices = #map}, {transform_indices = #map1}, {transform_indices = #map1}, {transform_indices = #map}, {transform_indices = #map2}]} {
    %mul3A = arith.constant 16 : i32
    %mul3A_0 = arith.muli %arg0, %mul3A : i32
    %add3A = arith.addi %mul3A_0, %arg1 : i32
    %mul3A_1 = arith.constant 640 : i32
    %mul3A_2 = arith.muli %arg1, %mul3A_1 : i32
    %mul3A_3 = arith.constant 640 : i32
    %mul3A_4 = arith.muli %arg1, %mul3A_3 : i32
    "tpu.region"() ({
      %run_scoped3A = tpu.sem_alloc : memref<!tpu.dma_semaphore, #tpu.memory_space<semaphore_mem>>
      %dma_start3A = arith.constant 0 : i32
      %dma_start3A_15 = tpu.memref_slice %arg11[%mul3A_4, %dma_start3A] : memref<10240x128xf32, #tpu.memory_space<vmem_shared>> -> memref<640x128xf32, #tpu.memory_space<vmem_shared>>
      %dma_start3A_16 = arith.constant 0 : i32
      %dma_start3A_17 = tpu.memref_slice %arg5[%mul3A_2, %dma_start3A_16] : memref<10240x128xf32, #tpu.memory_space<hbm>> -> memref<640x128xf32, #tpu.memory_space<hbm>>
      tpu.enqueue_dma source(%dma_start3A_17 : memref<640x128xf32, #tpu.memory_space<hbm>>) target(%dma_start3A_15 : memref<640x128xf32, #tpu.memory_space<vmem_shared>>) target_semaphore(%run_scoped3A : memref<!tpu.dma_semaphore, #tpu.memory_space<semaphore_mem>>)
      %dma_wait3A = arith.constant 0 : i32
      %dma_wait3A_18 = tpu.memref_slice %arg11[%mul3A_4, %dma_wait3A] : memref<10240x128xf32, #tpu.memory_space<vmem_shared>> -> memref<640x128xf32, #tpu.memory_space<vmem_shared>>
      %dma_wait3A_19 = arith.constant 0 : i32
      %dma_wait3A_20 = tpu.memref_slice %arg5[%mul3A_2, %dma_wait3A_19] : memref<10240x128xf32, #tpu.memory_space<hbm>> -> memref<640x128xf32, #tpu.memory_space<hbm>>
      tpu.wait_dma2 semaphore(%run_scoped3A : memref<!tpu.dma_semaphore, #tpu.memory_space<semaphore_mem>>) src(%dma_wait3A_20 : memref<640x128xf32, #tpu.memory_space<hbm>>) dst(%dma_wait3A_18 : memref<640x128xf32, #tpu.memory_space<vmem_shared>>)
      tpu.yield
    }) : () -> ()
    %barrier3A = arith.constant 0 : index
    tpu.barrier barrier_id(%barrier3A)
    %scan3A = arith.constant 0 : i32
    %scan3A_5 = arith.constant 0 : i32
    %scan3A_6 = arith.constant 5 : i32
    %scan3A_7 = arith.addi %scan3A_5, %scan3A_6 : i32
    %scan3A_8 = arith.constant 1 : i32
    scf.for %scan3A_15 = %scan3A_5 to %scan3A_7 step %scan3A_8  : i32 {
      "tpu.region"() ({
        %run_scoped3A_41 = tpu.sem_alloc : memref<!tpu.dma_semaphore, #tpu.memory_space<semaphore_mem>>
        %dma_start3A_42 = arith.constant 0 : i32
        %dma_start3A_43 = arith.constant 0 : i32
        %dma_start3A_44 = tpu.memref_slice %arg3[%add3A, %scan3A_15, %dma_start3A_42, %dma_start3A_43] : memref<32x5x25x80xi32, #tpu.memory_space<hbm>> -> memref<1x1x25x80xi32, #tpu.memory_space<hbm>>
        %dma_start3A_45 = tpu.memref_squeeze %dma_start3A_44 : memref<1x1x25x80xi32, #tpu.memory_space<hbm>> -> memref<25x80xi32, #tpu.memory_space<hbm>>
        %dma_start3A_46 = arith.constant 0 : i32
        %dma_start3A_47 = arith.constant 0 : i32
        %dma_start3A_48 = tpu.memref_slice %arg3[%add3A, %scan3A_15, %dma_start3A_46, %dma_start3A_47] : memref<32x5x25x80xi32, #tpu.memory_space<hbm>> -> memref<1x1x25x80xi32, #tpu.memory_space<hbm>>
        %dma_start3A_49 = tpu.memref_squeeze %dma_start3A_48 : memref<1x1x25x80xi32, #tpu.memory_space<hbm>> -> memref<25x80xi32, #tpu.memory_space<hbm>>
        tpu.enqueue_dma source(%dma_start3A_49 : memref<25x80xi32, #tpu.memory_space<hbm>>) target(%arg7 : memref<25x80xi32, #tpu.memory_space<vmem>>) target_semaphore(%run_scoped3A_41 : memref<!tpu.dma_semaphore, #tpu.memory_space<semaphore_mem>>)
        %dma_wait3A_50 = arith.constant 0 : i32
        %dma_wait3A_51 = arith.constant 0 : i32
        %dma_wait3A_52 = tpu.memref_slice %arg3[%add3A, %scan3A_15, %dma_wait3A_50, %dma_wait3A_51] : memref<32x5x25x80xi32, #tpu.memory_space<hbm>> -> memref<1x1x25x80xi32, #tpu.memory_space<hbm>>
        %dma_wait3A_53 = tpu.memref_squeeze %dma_wait3A_52 : memref<1x1x25x80xi32, #tpu.memory_space<hbm>> -> memref<25x80xi32, #tpu.memory_space<hbm>>
        %dma_wait3A_54 = arith.constant 0 : i32
        %dma_wait3A_55 = arith.constant 0 : i32
        %dma_wait3A_56 = tpu.memref_slice %arg3[%add3A, %scan3A_15, %dma_wait3A_54, %dma_wait3A_55] : memref<32x5x25x80xi32, #tpu.memory_space<hbm>> -> memref<1x1x25x80xi32, #tpu.memory_space<hbm>>
        %dma_wait3A_57 = tpu.memref_squeeze %dma_wait3A_56 : memref<1x1x25x80xi32, #tpu.memory_space<hbm>> -> memref<25x80xi32, #tpu.memory_space<hbm>>
        tpu.wait_dma2 semaphore(%run_scoped3A_41 : memref<!tpu.dma_semaphore, #tpu.memory_space<semaphore_mem>>) src(%dma_wait3A_57 : memref<25x80xi32, #tpu.memory_space<hbm>>) dst(%arg7 : memref<25x80xi32, #tpu.memory_space<vmem>>)
        tpu.yield
      }) : () -> ()
      "tpu.region"() ({
        %run_scoped3A_41 = tpu.sem_alloc : memref<!tpu.dma_semaphore, #tpu.memory_space<semaphore_mem>>
        %dma_start3A_42 = arith.constant 0 : i32
        %dma_start3A_43 = arith.constant 0 : i32
        %dma_start3A_44 = tpu.memref_slice %arg4[%add3A, %scan3A_15, %dma_start3A_42, %dma_start3A_43] : memref<32x5x25x80xi32, #tpu.memory_space<hbm>> -> memref<1x1x25x80xi32, #tpu.memory_space<hbm>>
        %dma_start3A_45 = tpu.memref_squeeze %dma_start3A_44 : memref<1x1x25x80xi32, #tpu.memory_space<hbm>> -> memref<25x80xi32, #tpu.memory_space<hbm>>
        %dma_start3A_46 = arith.constant 0 : i32
        %dma_start3A_47 = arith.constant 0 : i32
        %dma_start3A_48 = tpu.memref_slice %arg4[%add3A, %scan3A_15, %dma_start3A_46, %dma_start3A_47] : memref<32x5x25x80xi32, #tpu.memory_space<hbm>> -> memref<1x1x25x80xi32, #tpu.memory_space<hbm>>
        %dma_start3A_49 = tpu.memref_squeeze %dma_start3A_48 : memref<1x1x25x80xi32, #tpu.memory_space<hbm>> -> memref<25x80xi32, #tpu.memory_space<hbm>>
        tpu.enqueue_dma source(%dma_start3A_49 : memref<25x80xi32, #tpu.memory_space<hbm>>) target(%arg8 : memref<25x80xi32, #tpu.memory_space<vmem>>) target_semaphore(%run_scoped3A_41 : memref<!tpu.dma_semaphore, #tpu.memory_space<semaphore_mem>>)
        %dma_wait3A_50 = arith.constant 0 : i32
        %dma_wait3A_51 = arith.constant 0 : i32
        %dma_wait3A_52 = tpu.memref_slice %arg4[%add3A, %scan3A_15, %dma_wait3A_50, %dma_wait3A_51] : memref<32x5x25x80xi32, #tpu.memory_space<hbm>> -> memref<1x1x25x80xi32, #tpu.memory_space<hbm>>
        %dma_wait3A_53 = tpu.memref_squeeze %dma_wait3A_52 : memref<1x1x25x80xi32, #tpu.memory_space<hbm>> -> memref<25x80xi32, #tpu.memory_space<hbm>>
        %dma_wait3A_54 = arith.constant 0 : i32
        %dma_wait3A_55 = arith.constant 0 : i32
        %dma_wait3A_56 = tpu.memref_slice %arg4[%add3A, %scan3A_15, %dma_wait3A_54, %dma_wait3A_55] : memref<32x5x25x80xi32, #tpu.memory_space<hbm>> -> memref<1x1x25x80xi32, #tpu.memory_space<hbm>>
        %dma_wait3A_57 = tpu.memref_squeeze %dma_wait3A_56 : memref<1x1x25x80xi32, #tpu.memory_space<hbm>> -> memref<25x80xi32, #tpu.memory_space<hbm>>
        tpu.wait_dma2 semaphore(%run_scoped3A_41 : memref<!tpu.dma_semaphore, #tpu.memory_space<semaphore_mem>>) src(%dma_wait3A_57 : memref<25x80xi32, #tpu.memory_space<hbm>>) dst(%arg8 : memref<25x80xi32, #tpu.memory_space<vmem>>)
        tpu.yield
      }) : () -> ()
      %dma_start3A = arith.constant 0 : i32
      %dma_start3A_16 = arith.constant 0 : i32
      %dma_start3A_17 = tpu.memref_slice %arg7[%dma_start3A, %dma_start3A_16] : memref<25x80xi32, #tpu.memory_space<vmem>> -> memref<1x80xi32, #tpu.memory_space<vmem>>
      %dma_start3A_18 = tpu.memref_squeeze %dma_start3A_17 : memref<1x80xi32, #tpu.memory_space<vmem>> -> memref<80xi32, #tpu.memory_space<vmem>>
      %dma_start3A_19 = arith.constant 0 : i32
      %dma_start3A_20 = arith.constant 0 : i32
      %dma_start3A_21 = tpu.memref_slice %arg2[%dma_start3A_19, %dma_start3A_20] : memref<10000x128xf32, #tpu.memory_space<hbm>> -> memref<10000x128xf32, #tpu.memory_space<hbm>>
      tpu.enqueue_indirect_dma source(%dma_start3A_21 : memref<10000x128xf32, #tpu.memory_space<hbm>>) target(%arg9 : memref<80x128xf32, #tpu.memory_space<vmem>>) offsets(%dma_start3A_18 : memref<80xi32, #tpu.memory_space<vmem>>) semaphore(%arg12 : memref<!tpu.dma_semaphore, #tpu.memory_space<semaphore_mem>>)
      %scan3A_22 = arith.constant 0 : i32
      %scan3A_23 = arith.constant 0 : i32
      %scan3A_24 = arith.constant 12 : i32
      %scan3A_25 = arith.addi %scan3A_23, %scan3A_24 : i32
      %scan3A_26 = arith.constant 1 : i32
      scf.for %scan3A_41 = %scan3A_23 to %scan3A_25 step %scan3A_26  : i32 {
        %mul3A_42 = arith.constant 2 : i32
        %mul3A_43 = arith.muli %mul3A_42, %scan3A_41 : i32
        %add3A_44 = arith.constant 1 : i32
        %add3A_45 = arith.addi %mul3A_43, %add3A_44 : i32
        %dma_start3A_46 = arith.constant 0 : i32
        %dma_start3A_47 = tpu.memref_slice %arg7[%add3A_45, %dma_start3A_46] : memref<25x80xi32, #tpu.memory_space<vmem>> -> memref<1x80xi32, #tpu.memory_space<vmem>>
        %dma_start3A_48 = tpu.memref_squeeze %dma_start3A_47 : memref<1x80xi32, #tpu.memory_space<vmem>> -> memref<80xi32, #tpu.memory_space<vmem>>
        %dma_start3A_49 = arith.constant 0 : i32
        %dma_start3A_50 = arith.constant 0 : i32
        %dma_start3A_51 = tpu.memref_slice %arg2[%dma_start3A_49, %dma_start3A_50] : memref<10000x128xf32, #tpu.memory_space<hbm>> -> memref<10000x128xf32, #tpu.memory_space<hbm>>
        tpu.enqueue_indirect_dma source(%dma_start3A_51 : memref<10000x128xf32, #tpu.memory_space<hbm>>) target(%arg10 : memref<80x128xf32, #tpu.memory_space<vmem>>) offsets(%dma_start3A_48 : memref<80xi32, #tpu.memory_space<vmem>>) semaphore(%arg13 : memref<!tpu.dma_semaphore, #tpu.memory_space<semaphore_mem>>)
        %dma_wait3A_52 = arith.constant 0 : i32
        %dma_wait3A_53 = tpu.memref_slice %arg7[%mul3A_43, %dma_wait3A_52] : memref<25x80xi32, #tpu.memory_space<vmem>> -> memref<1x80xi32, #tpu.memory_space<vmem>>
        %dma_wait3A_54 = tpu.memref_squeeze %dma_wait3A_53 : memref<1x80xi32, #tpu.memory_space<vmem>> -> memref<80xi32, #tpu.memory_space<vmem>>
        %dma_wait3A_55 = arith.constant 0 : i32
        %dma_wait3A_56 = arith.constant 0 : i32
        %dma_wait3A_57 = tpu.memref_slice %arg2[%dma_wait3A_55, %dma_wait3A_56] : memref<10000x128xf32, #tpu.memory_space<hbm>> -> memref<10000x128xf32, #tpu.memory_space<hbm>>
        tpu.wait_indirect_dma semaphore(%arg12 : memref<!tpu.dma_semaphore, #tpu.memory_space<semaphore_mem>>) src(%dma_wait3A_57 : memref<10000x128xf32, #tpu.memory_space<hbm>>) dst(%arg9 : memref<80x128xf32, #tpu.memory_space<vmem>>)
        "tpu.region"() ({
          %run_scoped3A_66 = tpu.sem_alloc : memref<!tpu.dma_semaphore, #tpu.memory_space<semaphore_mem>>
          %dma_start3A_67 = arith.constant 0 : i32
          %dma_start3A_68 = tpu.memref_slice %arg8[%mul3A_43, %dma_start3A_67] : memref<25x80xi32, #tpu.memory_space<vmem>> -> memref<1x80xi32, #tpu.memory_space<vmem>>
          %dma_start3A_69 = tpu.memref_squeeze %dma_start3A_68 : memref<1x80xi32, #tpu.memory_space<vmem>> -> memref<80xi32, #tpu.memory_space<vmem>>
          %dma_start3A_70 = arith.constant 0 : i32
          %dma_start3A_71 = arith.constant 0 : i32
          %dma_start3A_72 = tpu.memref_slice %arg11[%dma_start3A_70, %dma_start3A_71] : memref<10240x128xf32, #tpu.memory_space<vmem_shared>> -> memref<10240x128xf32, #tpu.memory_space<vmem_shared>>
          tpu.enqueue_indirect_dma source(%arg9 : memref<80x128xf32, #tpu.memory_space<vmem>>) target(%dma_start3A_72 : memref<10240x128xf32, #tpu.memory_space<vmem_shared>>) offsets(%dma_start3A_69 : memref<80xi32, #tpu.memory_space<vmem>>) semaphore(%run_scoped3A_66 : memref<!tpu.dma_semaphore, #tpu.memory_space<semaphore_mem>>) {add = true}
          %dma_wait3A_73 = arith.constant 0 : i32
          %dma_wait3A_74 = tpu.memref_slice %arg8[%mul3A_43, %dma_wait3A_73] : memref<25x80xi32, #tpu.memory_space<vmem>> -> memref<1x80xi32, #tpu.memory_space<vmem>>
          %dma_wait3A_75 = tpu.memref_squeeze %dma_wait3A_74 : memref<1x80xi32, #tpu.memory_space<vmem>> -> memref<80xi32, #tpu.memory_space<vmem>>
          %dma_wait3A_76 = arith.constant 0 : i32
          %dma_wait3A_77 = arith.constant 0 : i32
          %dma_wait3A_78 = tpu.memref_slice %arg11[%dma_wait3A_76, %dma_wait3A_77] : memref<10240x128xf32, #tpu.memory_space<vmem_shared>> -> memref<10240x128xf32, #tpu.memory_space<vmem_shared>>
          tpu.wait_indirect_dma semaphore(%run_scoped3A_66 : memref<!tpu.dma_semaphore, #tpu.memory_space<semaphore_mem>>) src(%arg9 : memref<80x128xf32, #tpu.memory_space<vmem>>) dst(%dma_wait3A_78 : memref<10240x128xf32, #tpu.memory_space<vmem_shared>>)
          tpu.yield
        }) : () -> ()
        %lt3A = arith.constant 11 : i32
        %lt3A_58 = arith.cmpi slt, %scan3A_41, %lt3A : i32
        %convert_element_type3A = arith.extui %lt3A_58 : i1 to i32
        %cond3A = arith.constant 0 : i32
        %cond3A_59 = arith.cmpi ne, %convert_element_type3A, %cond3A : i32
        scf.if %cond3A_59 {
          %add3A_66 = arith.constant 2 : i32
          %add3A_67 = arith.addi %mul3A_43, %add3A_66 : i32
          %dma_start3A_68 = arith.constant 0 : i32
          %dma_start3A_69 = tpu.memref_slice %arg7[%add3A_67, %dma_start3A_68] : memref<25x80xi32, #tpu.memory_space<vmem>> -> memref<1x80xi32, #tpu.memory_space<vmem>>
          %dma_start3A_70 = tpu.memref_squeeze %dma_start3A_69 : memref<1x80xi32, #tpu.memory_space<vmem>> -> memref<80xi32, #tpu.memory_space<vmem>>
          %dma_start3A_71 = arith.constant 0 : i32
          %dma_start3A_72 = arith.constant 0 : i32
          %dma_start3A_73 = tpu.memref_slice %arg2[%dma_start3A_71, %dma_start3A_72] : memref<10000x128xf32, #tpu.memory_space<hbm>> -> memref<10000x128xf32, #tpu.memory_space<hbm>>
          tpu.enqueue_indirect_dma source(%dma_start3A_73 : memref<10000x128xf32, #tpu.memory_space<hbm>>) target(%arg9 : memref<80x128xf32, #tpu.memory_space<vmem>>) offsets(%dma_start3A_70 : memref<80xi32, #tpu.memory_space<vmem>>) semaphore(%arg12 : memref<!tpu.dma_semaphore, #tpu.memory_space<semaphore_mem>>)
        } else {
        }
        %dma_wait3A_60 = arith.constant 0 : i32
        %dma_wait3A_61 = tpu.memref_slice %arg7[%add3A_45, %dma_wait3A_60] : memref<25x80xi32, #tpu.memory_space<vmem>> -> memref<1x80xi32, #tpu.memory_space<vmem>>
        %dma_wait3A_62 = tpu.memref_squeeze %dma_wait3A_61 : memref<1x80xi32, #tpu.memory_space<vmem>> -> memref<80xi32, #tpu.memory_space<vmem>>
        %dma_wait3A_63 = arith.constant 0 : i32
        %dma_wait3A_64 = arith.constant 0 : i32
        %dma_wait3A_65 = tpu.memref_slice %arg2[%dma_wait3A_63, %dma_wait3A_64] : memref<10000x128xf32, #tpu.memory_space<hbm>> -> memref<10000x128xf32, #tpu.memory_space<hbm>>
        tpu.wait_indirect_dma semaphore(%arg13 : memref<!tpu.dma_semaphore, #tpu.memory_space<semaphore_mem>>) src(%dma_wait3A_65 : memref<10000x128xf32, #tpu.memory_space<hbm>>) dst(%arg10 : memref<80x128xf32, #tpu.memory_space<vmem>>)
        "tpu.region"() ({
          %run_scoped3A_66 = tpu.sem_alloc : memref<!tpu.dma_semaphore, #tpu.memory_space<semaphore_mem>>
          %dma_start3A_67 = arith.constant 0 : i32
          %dma_start3A_68 = tpu.memref_slice %arg8[%add3A_45, %dma_start3A_67] : memref<25x80xi32, #tpu.memory_space<vmem>> -> memref<1x80xi32, #tpu.memory_space<vmem>>
          %dma_start3A_69 = tpu.memref_squeeze %dma_start3A_68 : memref<1x80xi32, #tpu.memory_space<vmem>> -> memref<80xi32, #tpu.memory_space<vmem>>
          %dma_start3A_70 = arith.constant 0 : i32
          %dma_start3A_71 = arith.constant 0 : i32
          %dma_start3A_72 = tpu.memref_slice %arg11[%dma_start3A_70, %dma_start3A_71] : memref<10240x128xf32, #tpu.memory_space<vmem_shared>> -> memref<10240x128xf32, #tpu.memory_space<vmem_shared>>
          tpu.enqueue_indirect_dma source(%arg10 : memref<80x128xf32, #tpu.memory_space<vmem>>) target(%dma_start3A_72 : memref<10240x128xf32, #tpu.memory_space<vmem_shared>>) offsets(%dma_start3A_69 : memref<80xi32, #tpu.memory_space<vmem>>) semaphore(%run_scoped3A_66 : memref<!tpu.dma_semaphore, #tpu.memory_space<semaphore_mem>>) {add = true}
          %dma_wait3A_73 = arith.constant 0 : i32
          %dma_wait3A_74 = tpu.memref_slice %arg8[%add3A_45, %dma_wait3A_73] : memref<25x80xi32, #tpu.memory_space<vmem>> -> memref<1x80xi32, #tpu.memory_space<vmem>>
          %dma_wait3A_75 = tpu.memref_squeeze %dma_wait3A_74 : memref<1x80xi32, #tpu.memory_space<vmem>> -> memref<80xi32, #tpu.memory_space<vmem>>
          %dma_wait3A_76 = arith.constant 0 : i32
          %dma_wait3A_77 = arith.constant 0 : i32
          %dma_wait3A_78 = tpu.memref_slice %arg11[%dma_wait3A_76, %dma_wait3A_77] : memref<10240x128xf32, #tpu.memory_space<vmem_shared>> -> memref<10240x128xf32, #tpu.memory_space<vmem_shared>>
          tpu.wait_indirect_dma semaphore(%run_scoped3A_66 : memref<!tpu.dma_semaphore, #tpu.memory_space<semaphore_mem>>) src(%arg10 : memref<80x128xf32, #tpu.memory_space<vmem>>) dst(%dma_wait3A_78 : memref<10240x128xf32, #tpu.memory_space<vmem_shared>>)
          tpu.yield
        }) : () -> ()
      }
      %scan3A_27 = arith.constant 12 : i32
      %dma_start3A_28 = arith.constant 24 : i32
      %dma_start3A_29 = arith.constant 0 : i32
      %dma_start3A_30 = tpu.memref_slice %arg7[%dma_start3A_28, %dma_start3A_29] : memref<25x80xi32, #tpu.memory_space<vmem>> -> memref<1x80xi32, #tpu.memory_space<vmem>>
      %dma_start3A_31 = tpu.memref_squeeze %dma_start3A_30 : memref<1x80xi32, #tpu.memory_space<vmem>> -> memref<80xi32, #tpu.memory_space<vmem>>
      %dma_start3A_32 = arith.constant 0 : i32
      %dma_start3A_33 = arith.constant 0 : i32
      %dma_start3A_34 = tpu.memref_slice %arg2[%dma_start3A_32, %dma_start3A_33] : memref<10000x128xf32, #tpu.memory_space<hbm>> -> memref<10000x128xf32, #tpu.memory_space<hbm>>
      tpu.enqueue_indirect_dma source(%dma_start3A_34 : memref<10000x128xf32, #tpu.memory_space<hbm>>) target(%arg9 : memref<80x128xf32, #tpu.memory_space<vmem>>) offsets(%dma_start3A_31 : memref<80xi32, #tpu.memory_space<vmem>>) semaphore(%arg12 : memref<!tpu.dma_semaphore, #tpu.memory_space<semaphore_mem>>)
      %dma_wait3A = arith.constant 24 : i32
      %dma_wait3A_35 = arith.constant 0 : i32
      %dma_wait3A_36 = tpu.memref_slice %arg7[%dma_wait3A, %dma_wait3A_35] : memref<25x80xi32, #tpu.memory_space<vmem>> -> memref<1x80xi32, #tpu.memory_space<vmem>>
      %dma_wait3A_37 = tpu.memref_squeeze %dma_wait3A_36 : memref<1x80xi32, #tpu.memory_space<vmem>> -> memref<80xi32, #tpu.memory_space<vmem>>
      %dma_wait3A_38 = arith.constant 0 : i32
      %dma_wait3A_39 = arith.constant 0 : i32
      %dma_wait3A_40 = tpu.memref_slice %arg2[%dma_wait3A_38, %dma_wait3A_39] : memref<10000x128xf32, #tpu.memory_space<hbm>> -> memref<10000x128xf32, #tpu.memory_space<hbm>>
      tpu.wait_indirect_dma semaphore(%arg12 : memref<!tpu.dma_semaphore, #tpu.memory_space<semaphore_mem>>) src(%dma_wait3A_40 : memref<10000x128xf32, #tpu.memory_space<hbm>>) dst(%arg9 : memref<80x128xf32, #tpu.memory_space<vmem>>)
      %run_scoped3A = arith.constant 24 : i32
      "tpu.region"() ({
        %run_scoped3A_41 = tpu.sem_alloc : memref<!tpu.dma_semaphore, #tpu.memory_space<semaphore_mem>>
        %dma_start3A_42 = arith.constant 0 : i32
        %dma_start3A_43 = tpu.memref_slice %arg8[%run_scoped3A, %dma_start3A_42] : memref<25x80xi32, #tpu.memory_space<vmem>> -> memref<1x80xi32, #tpu.memory_space<vmem>>
        %dma_start3A_44 = tpu.memref_squeeze %dma_start3A_43 : memref<1x80xi32, #tpu.memory_space<vmem>> -> memref<80xi32, #tpu.memory_space<vmem>>
        %dma_start3A_45 = arith.constant 0 : i32
        %dma_start3A_46 = arith.constant 0 : i32
        %dma_start3A_47 = tpu.memref_slice %arg11[%dma_start3A_45, %dma_start3A_46] : memref<10240x128xf32, #tpu.memory_space<vmem_shared>> -> memref<10240x128xf32, #tpu.memory_space<vmem_shared>>
        tpu.enqueue_indirect_dma source(%arg9 : memref<80x128xf32, #tpu.memory_space<vmem>>) target(%dma_start3A_47 : memref<10240x128xf32, #tpu.memory_space<vmem_shared>>) offsets(%dma_start3A_44 : memref<80xi32, #tpu.memory_space<vmem>>) semaphore(%run_scoped3A_41 : memref<!tpu.dma_semaphore, #tpu.memory_space<semaphore_mem>>) {add = true}
        %dma_wait3A_48 = arith.constant 0 : i32
        %dma_wait3A_49 = tpu.memref_slice %arg8[%run_scoped3A, %dma_wait3A_48] : memref<25x80xi32, #tpu.memory_space<vmem>> -> memref<1x80xi32, #tpu.memory_space<vmem>>
        %dma_wait3A_50 = tpu.memref_squeeze %dma_wait3A_49 : memref<1x80xi32, #tpu.memory_space<vmem>> -> memref<80xi32, #tpu.memory_space<vmem>>
        %dma_wait3A_51 = arith.constant 0 : i32
        %dma_wait3A_52 = arith.constant 0 : i32
        %dma_wait3A_53 = tpu.memref_slice %arg11[%dma_wait3A_51, %dma_wait3A_52] : memref<10240x128xf32, #tpu.memory_space<vmem_shared>> -> memref<10240x128xf32, #tpu.memory_space<vmem_shared>>
        tpu.wait_indirect_dma semaphore(%run_scoped3A_41 : memref<!tpu.dma_semaphore, #tpu.memory_space<semaphore_mem>>) src(%arg9 : memref<80x128xf32, #tpu.memory_space<vmem>>) dst(%dma_wait3A_53 : memref<10240x128xf32, #tpu.memory_space<vmem_shared>>)
        tpu.yield
      }) : () -> ()
    }
    %scan3A_9 = arith.constant 5 : i32
    %barrier3A_10 = arith.constant 0 : index
    tpu.barrier barrier_id(%barrier3A_10)
    %mul3A_11 = arith.constant 640 : i32
    %mul3A_12 = arith.muli %arg1, %mul3A_11 : i32
    %mul3A_13 = arith.constant 640 : i32
    %mul3A_14 = arith.muli %arg1, %mul3A_13 : i32
    "tpu.region"() ({
      %run_scoped3A = tpu.sem_alloc : memref<!tpu.dma_semaphore, #tpu.memory_space<semaphore_mem>>
      %dma_start3A = arith.constant 0 : i32
      %dma_start3A_15 = tpu.memref_slice %arg6[%arg0, %mul3A_14, %dma_start3A] : memref<2x10240x128xf32, #tpu.memory_space<hbm>> -> memref<1x640x128xf32, #tpu.memory_space<hbm>>
      %dma_start3A_16 = tpu.memref_squeeze %dma_start3A_15 : memref<1x640x128xf32, #tpu.memory_space<hbm>> -> memref<640x128xf32, #tpu.memory_space<hbm>>
      %dma_start3A_17 = arith.constant 0 : i32
      %dma_start3A_18 = tpu.memref_slice %arg11[%mul3A_12, %dma_start3A_17] : memref<10240x128xf32, #tpu.memory_space<vmem_shared>> -> memref<640x128xf32, #tpu.memory_space<vmem_shared>>
      tpu.enqueue_dma source(%dma_start3A_18 : memref<640x128xf32, #tpu.memory_space<vmem_shared>>) target(%dma_start3A_16 : memref<640x128xf32, #tpu.memory_space<hbm>>) target_semaphore(%run_scoped3A : memref<!tpu.dma_semaphore, #tpu.memory_space<semaphore_mem>>)
      %dma_wait3A = arith.constant 0 : i32
      %dma_wait3A_19 = tpu.memref_slice %arg6[%arg0, %mul3A_14, %dma_wait3A] : memref<2x10240x128xf32, #tpu.memory_space<hbm>> -> memref<1x640x128xf32, #tpu.memory_space<hbm>>
      %dma_wait3A_20 = tpu.memref_squeeze %dma_wait3A_19 : memref<1x640x128xf32, #tpu.memory_space<hbm>> -> memref<640x128xf32, #tpu.memory_space<hbm>>
      %dma_wait3A_21 = arith.constant 0 : i32
      %dma_wait3A_22 = tpu.memref_slice %arg11[%mul3A_12, %dma_wait3A_21] : memref<10240x128xf32, #tpu.memory_space<vmem_shared>> -> memref<640x128xf32, #tpu.memory_space<vmem_shared>>
      tpu.wait_dma2 semaphore(%run_scoped3A : memref<!tpu.dma_semaphore, #tpu.memory_space<semaphore_mem>>) src(%dma_wait3A_22 : memref<640x128xf32, #tpu.memory_space<vmem_shared>>) dst(%dma_wait3A_20 : memref<640x128xf32, #tpu.memory_space<hbm>>)
      tpu.yield
    }) : () -> ()
    return
  }
}

module attributes {stable_mosaic.version = 14 : i64} {
  func.func @_mmh_body(%arg0: i32, %arg1: memref<2000x128xf32, #tpu.memory_space<vmem>>, %arg2: memref<128x128xf32, #tpu.memory_space<vmem>>, %arg3: memref<2000x128xf32, #tpu.memory_space<vmem>>) attributes {dimension_semantics = [#tpu.dimension_semantics<arbitrary>], iteration_bounds = array<i64: 5>, scalar_prefetch = 0 : i64, scratch_operands = 0 : i64, tpu.core_type = #tpu.core_type<tc>, window_params = [{transform_indices = @transform_0, window_bounds = array<i64: 2000, 128>}, {pipeline_mode = #tpu.pipeline_mode<synchronous>, transform_indices = @transform_1, window_bounds = array<i64: 128, 128>}, {transform_indices = @transform_2, window_bounds = array<i64: 2000, 128>}]} {
    %get3A = arith.constant 0 : index
    %get3A_0 = arith.constant 0 : index
    %get3A_1 = vector.load %arg1[%get3A, %get3A_0] : memref<2000x128xf32, #tpu.memory_space<vmem>>, vector<2000x128xf32>
    %get3A_2 = arith.constant 0 : index
    %get3A_3 = arith.constant 0 : index
    %get3A_4 = vector.load %arg2[%get3A_2, %get3A_3] : memref<128x128xf32, #tpu.memory_space<vmem>>, vector<128x128xf32>
    %dot_general3A = arith.constant dense<0.000000e+00> : vector<2000x128xf32>
    %dot_general3A_5 = tpu.matmul %get3A_1, %get3A_4, %dot_general3A {dimension_numbers = #tpu.dot_dimension_numbers<[1], [0], [0], [1], [0, 0, 1, 1], [], []>, precision = #tpu.contract_precision<fp32>, transpose_lhs_hint = false} : vector<2000x128xf32>, vector<128x128xf32>, vector<2000x128xf32> -> vector<2000x128xf32>
    %swap3A = arith.constant 0 : index
    %swap3A_6 = arith.constant 0 : index
    %swap3A_7 = vector.load %arg3[%swap3A, %swap3A_6] : memref<2000x128xf32, #tpu.memory_space<vmem>>, vector<2000x128xf32>
    tpu.vector_store %arg3[%swap3A, %swap3A_6], %dot_general3A_5 {strides = array<i32>} : memref<2000x128xf32, #tpu.memory_space<vmem>>, vector<2000x128xf32>,
    return
  }
  func.func @transform_0(%arg0: i32) -> (i32, i32) {
    %c0_i32 = arith.constant 0 : i32
    %c0_i32_0 = arith.constant 0 : i32
    return %arg0, %c0_i32 : i32, i32
  }
  func.func @transform_1(%arg0: i32) -> (i32, i32) {
    %c0_i32 = arith.constant 0 : i32
    %c0_i32_0 = arith.constant 0 : i32
    %c0_i32_1 = arith.constant 0 : i32
    return %c0_i32, %c0_i32_0 : i32, i32
  }
  func.func @transform_2(%arg0: i32) -> (i32, i32) {
    %c0_i32 = arith.constant 0 : i32
    %c0_i32_0 = arith.constant 0 : i32
    return %arg0, %c0_i32 : i32, i32
  }
}

module attributes {stable_mosaic.version = 14 : i64} {
  func.func @_scale_body(%arg0: i32, %arg1: memref<2000x128xf32, #tpu.memory_space<vmem>>, %arg2: memref<2000x32xf32, #tpu.memory_space<vmem>>, %arg3: memref<2000x128xf32, #tpu.memory_space<vmem>>, %arg4: memref<2000x1xf32, #tpu.memory_space<vmem>>) attributes {dimension_semantics = [#tpu.dimension_semantics<arbitrary>], iteration_bounds = array<i64: 5>, scalar_prefetch = 0 : i64, scratch_operands = 0 : i64, tpu.core_type = #tpu.core_type<tc>, window_params = [{transform_indices = @transform_0, window_bounds = array<i64: 2000, 128>}, {transform_indices = @transform_1, window_bounds = array<i64: 2000, 32>}, {transform_indices = @transform_2, window_bounds = array<i64: 2000, 128>}, {transform_indices = @transform_3, window_bounds = array<i64: 2000, 1>}]} {
    %get3A = arith.constant 0 : index
    %get3A_0 = arith.constant 0 : index
    %get3A_1 = vector.load %arg2[%get3A, %get3A_0] : memref<2000x32xf32, #tpu.memory_space<vmem>>, vector<2000x32xf32>
    %reduce_sum3A = arith.constant dense<0.000000e+00> : vector<2000xf32>
    %reduce_sum3A_2 = vector.multi_reduction <add>, %get3A_1, %reduce_sum3A [1] : vector<2000x32xf32> to vector<2000xf32>
    %broadcast_in_dim3A = vector.shape_cast %reduce_sum3A_2 : vector<2000xf32> to vector<2000x1xf32>
    %add3A = arith.constant 1.000000e+00 : f32
    %add3A_3 = vector.broadcast %add3A : f32 to vector<2000x1xf32>
    %add3A_4 = arith.addf %broadcast_in_dim3A, %add3A_3 : vector<2000x1xf32>
    %rsqrt3A = math.rsqrt %add3A_4 : vector<2000x1xf32>
    %get3A_5 = arith.constant 0 : index
    %get3A_6 = arith.constant 0 : index
    %get3A_7 = vector.load %arg1[%get3A_5, %get3A_6] : memref<2000x128xf32, #tpu.memory_space<vmem>>, vector<2000x128xf32>
    %mul3A = vector.broadcast %rsqrt3A : vector<2000x1xf32> to vector<2000x128xf32>
    %mul3A_8 = arith.mulf %get3A_7, %mul3A : vector<2000x128xf32>
    %swap3A = arith.constant 0 : index
    %swap3A_9 = arith.constant 0 : index
    %swap3A_10 = vector.load %arg3[%swap3A, %swap3A_9] : memref<2000x128xf32, #tpu.memory_space<vmem>>, vector<2000x128xf32>
    tpu.vector_store %arg3[%swap3A, %swap3A_9], %mul3A_8 {strides = array<i32>} : memref<2000x128xf32, #tpu.memory_space<vmem>>, vector<2000x128xf32>,
    %swap3A_11 = arith.constant 0 : index
    %swap3A_12 = arith.constant 0 : index
    %swap3A_13 = vector.load %arg4[%swap3A_11, %swap3A_12] : memref<2000x1xf32, #tpu.memory_space<vmem>>, vector<2000x1xf32>
    tpu.vector_store %arg4[%swap3A_11, %swap3A_12], %rsqrt3A {strides = array<i32>} : memref<2000x1xf32, #tpu.memory_space<vmem>>, vector<2000x1xf32>,
    return
  }
  func.func @transform_0(%arg0: i32) -> (i32, i32) {
    %c0_i32 = arith.constant 0 : i32
    %c0_i32_0 = arith.constant 0 : i32
    return %arg0, %c0_i32 : i32, i32
  }
  func.func @transform_1(%arg0: i32) -> (i32, i32) {
    %c0_i32 = arith.constant 0 : i32
    %c0_i32_0 = arith.constant 0 : i32
    return %arg0, %c0_i32 : i32, i32
  }
  func.func @transform_2(%arg0: i32) -> (i32, i32) {
    %c0_i32 = arith.constant 0 : i32
    %c0_i32_0 = arith.constant 0 : i32
    return %arg0, %c0_i32 : i32, i32
  }
  func.func @transform_3(%arg0: i32) -> (i32, i32) {
    %c0_i32 = arith.constant 0 : i32
    %c0_i32_0 = arith.constant 0 : i32
    return %arg0, %c0_i32 : i32, i32
  }
}

module attributes {stable_mosaic.version = 14 : i64} {
  func.func @_mid_body(%arg0: i32, %arg1: memref<2x2000x128xf32, #tpu.memory_space<vmem>>, %arg2: memref<2000x128xf32, #tpu.memory_space<vmem>>, %arg3: memref<2000x1xf32, #tpu.memory_space<vmem>>, %arg4: memref<1x128xf32, #tpu.memory_space<vmem>>, %arg5: memref<128x128xf32, #tpu.memory_space<vmem>>, %arg6: memref<2000x128xf32, #tpu.memory_space<vmem>>) attributes {dimension_semantics = [#tpu.dimension_semantics<arbitrary>], iteration_bounds = array<i64: 5>, scalar_prefetch = 0 : i64, scratch_operands = 0 : i64, tpu.core_type = #tpu.core_type<tc>, window_params = [{transform_indices = @transform_0, window_bounds = array<i64: 2, 2000, 128>}, {transform_indices = @transform_1, window_bounds = array<i64: 2000, 128>}, {transform_indices = @transform_2, window_bounds = array<i64: 2000, 1>}, {pipeline_mode = #tpu.pipeline_mode<synchronous>, transform_indices = @transform_3, window_bounds = array<i64: 1, 128>}, {pipeline_mode = #tpu.pipeline_mode<synchronous>, transform_indices = @transform_4, window_bounds = array<i64: 128, 128>}, {transform_indices = @transform_5, window_bounds = array<i64: 2000, 128>}]} {
    %get3A = arith.constant 0 : index
    %get3A_0 = arith.constant 0 : index
    %get3A_1 = vector.load %arg3[%get3A, %get3A_0] : memref<2000x1xf32, #tpu.memory_space<vmem>>, vector<2000x1xf32>
    %get3A_2 = arith.constant 0 : index
    %get3A_3 = arith.constant 0 : index
    %get3A_4 = arith.constant 0 : index
    %get3A_5 = vector.load %arg1[%get3A_2, %get3A_3, %get3A_4] : memref<2x2000x128xf32, #tpu.memory_space<vmem>>, vector<1x2000x128xf32>
    %get3A_6 = vector.shape_cast %get3A_5 : vector<1x2000x128xf32> to vector<2000x128xf32>
    %get3A_7 = arith.constant 1 : index
    %get3A_8 = arith.constant 0 : index
    %get3A_9 = arith.constant 0 : index
    %get3A_10 = vector.load %arg1[%get3A_7, %get3A_8, %get3A_9] : memref<2x2000x128xf32, #tpu.memory_space<vmem>>, vector<1x2000x128xf32>
    %get3A_11 = vector.shape_cast %get3A_10 : vector<1x2000x128xf32> to vector<2000x128xf32>
    %add3A = arith.addf %get3A_6, %get3A_11 : vector<2000x128xf32>
    %get3A_12 = arith.constant 0 : index
    %get3A_13 = arith.constant 0 : index
    %get3A_14 = vector.load %arg2[%get3A_12, %get3A_13] : memref<2000x128xf32, #tpu.memory_space<vmem>>, vector<2000x128xf32>
    %add3A_15 = arith.addf %add3A, %get3A_14 : vector<2000x128xf32>
    %mul3A = vector.broadcast %get3A_1 : vector<2000x1xf32> to vector<2000x128xf32>
    %mul3A_16 = arith.mulf %add3A_15, %mul3A : vector<2000x128xf32>
    %get3A_17 = arith.constant 0 : index
    %get3A_18 = arith.constant 0 : index
    %get3A_19 = vector.load %arg4[%get3A_17, %get3A_18] : memref<1x128xf32, #tpu.memory_space<vmem>>, vector<1x128xf32>
    %add3A_20 = vector.broadcast %get3A_19 : vector<1x128xf32> to vector<2000x128xf32>
    %add3A_21 = arith.addf %mul3A_16, %add3A_20 : vector<2000x128xf32>
    %max3A = arith.constant 0.000000e+00 : f32
    %max3A_22 = vector.broadcast %max3A : f32 to vector<2000x128xf32>
    %max3A_23 = arith.maximumf %add3A_21, %max3A_22 : vector<2000x128xf32>
    %get3A_24 = arith.constant 0 : index
    %get3A_25 = arith.constant 0 : index
    %get3A_26 = vector.load %arg5[%get3A_24, %get3A_25] : memref<128x128xf32, #tpu.memory_space<vmem>>, vector<128x128xf32>
    %dot_general3A = arith.constant dense<0.000000e+00> : vector<2000x128xf32>
    %dot_general3A_27 = tpu.matmul %max3A_23, %get3A_26, %dot_general3A {dimension_numbers = #tpu.dot_dimension_numbers<[1], [0], [0], [1], [0, 0, 1, 1], [], []>, precision = #tpu.contract_precision<fp32>, transpose_lhs_hint = false} : vector<2000x128xf32>, vector<128x128xf32>, vector<2000x128xf32> -> vector<2000x128xf32>
    %mul3A_28 = vector.broadcast %get3A_1 : vector<2000x1xf32> to vector<2000x128xf32>
    %mul3A_29 = arith.mulf %dot_general3A_27, %mul3A_28 : vector<2000x128xf32>
    %swap3A = arith.constant 0 : index
    %swap3A_30 = arith.constant 0 : index
    %swap3A_31 = vector.load %arg6[%swap3A, %swap3A_30] : memref<2000x128xf32, #tpu.memory_space<vmem>>, vector<2000x128xf32>
    tpu.vector_store %arg6[%swap3A, %swap3A_30], %mul3A_29 {strides = array<i32>} : memref<2000x128xf32, #tpu.memory_space<vmem>>, vector<2000x128xf32>,
    return
  }
  func.func @transform_0(%arg0: i32) -> (i32, i32, i32) {
    %c0_i32 = arith.constant 0 : i32
    %c0_i32_0 = arith.constant 0 : i32
    %c0_i32_1 = arith.constant 0 : i32
    return %c0_i32, %arg0, %c0_i32_0 : i32, i32, i32
  }
  func.func @transform_1(%arg0: i32) -> (i32, i32) {
    %c0_i32 = arith.constant 0 : i32
    %c0_i32_0 = arith.constant 0 : i32
    return %arg0, %c0_i32 : i32, i32
  }
  func.func @transform_2(%arg0: i32) -> (i32, i32) {
    %c0_i32 = arith.constant 0 : i32
    %c0_i32_0 = arith.constant 0 : i32
    return %arg0, %c0_i32 : i32, i32
  }
  func.func @transform_3(%arg0: i32) -> (i32, i32) {
    %c0_i32 = arith.constant 0 : i32
    %c0_i32_0 = arith.constant 0 : i32
    %c0_i32_1 = arith.constant 0 : i32
    return %c0_i32, %c0_i32_0 : i32, i32
  }
  func.func @transform_4(%arg0: i32) -> (i32, i32) {
    %c0_i32 = arith.constant 0 : i32
    %c0_i32_0 = arith.constant 0 : i32
    %c0_i32_1 = arith.constant 0 : i32
    return %c0_i32, %c0_i32_0 : i32, i32
  }
  func.func @transform_5(%arg0: i32) -> (i32, i32) {
    %c0_i32 = arith.constant 0 : i32
    %c0_i32_0 = arith.constant 0 : i32
    return %arg0, %c0_i32 : i32, i32
  }
}

module attributes {stable_mosaic.version = 14 : i64} {
  func.func @_fin_body(%arg0: i32, %arg1: memref<2x2000x128xf32, #tpu.memory_space<vmem>>, %arg2: memref<2000x128xf32, #tpu.memory_space<vmem>>, %arg3: memref<2000x1xf32, #tpu.memory_space<vmem>>, %arg4: memref<1x128xf32, #tpu.memory_space<vmem>>, %arg5: memref<1x128xf32, #tpu.memory_space<vmem>>, %arg6: memref<1x1xf32, #tpu.memory_space<vmem>>, %arg7: memref<2000x1xi32, #tpu.memory_space<vmem>>, %arg8: memref<1x64xf32, #tpu.memory_space<vmem>>, %arg9: memref<1x64xf32, #tpu.memory_space<vmem>>, %arg10: memref<1x64xf32, #tpu.memory_space<vmem>>) attributes {dimension_semantics = [#tpu.dimension_semantics<arbitrary>], iteration_bounds = array<i64: 5>, scalar_prefetch = 0 : i64, scratch_operands = 2 : i64, tpu.core_type = #tpu.core_type<tc>, window_params = [{transform_indices = @transform_0, window_bounds = array<i64: 2, 2000, 128>}, {transform_indices = @transform_1, window_bounds = array<i64: 2000, 128>}, {transform_indices = @transform_2, window_bounds = array<i64: 2000, 1>}, {pipeline_mode = #tpu.pipeline_mode<synchronous>, transform_indices = @transform_3, window_bounds = array<i64: 1, 128>}, {pipeline_mode = #tpu.pipeline_mode<synchronous>, transform_indices = @transform_4, window_bounds = array<i64: 1, 128>}, {pipeline_mode = #tpu.pipeline_mode<synchronous>, transform_indices = @transform_5, window_bounds = array<i64: 1, 1>}, {transform_indices = @transform_6, window_bounds = array<i64: 2000, 1>}, {pipeline_mode = #tpu.pipeline_mode<synchronous>, transform_indices = @transform_7, window_bounds = array<i64: 1, 64>}]} {
    %get3A = arith.constant 0 : index
    %get3A_0 = arith.constant 0 : index
    %get3A_1 = arith.constant 0 : index
    %get3A_2 = vector.load %arg1[%get3A, %get3A_0, %get3A_1] : memref<2x2000x128xf32, #tpu.memory_space<vmem>>, vector<1x2000x128xf32>
    %get3A_3 = vector.shape_cast %get3A_2 : vector<1x2000x128xf32> to vector<2000x128xf32>
    %get3A_4 = arith.constant 1 : index
    %get3A_5 = arith.constant 0 : index
    %get3A_6 = arith.constant 0 : index
    %get3A_7 = vector.load %arg1[%get3A_4, %get3A_5, %get3A_6] : memref<2x2000x128xf32, #tpu.memory_space<vmem>>, vector<1x2000x128xf32>
    %get3A_8 = vector.shape_cast %get3A_7 : vector<1x2000x128xf32> to vector<2000x128xf32>
    %add3A = arith.addf %get3A_3, %get3A_8 : vector<2000x128xf32>
    %get3A_9 = arith.constant 0 : index
    %get3A_10 = arith.constant 0 : index
    %get3A_11 = vector.load %arg2[%get3A_9, %get3A_10] : memref<2000x128xf32, #tpu.memory_space<vmem>>, vector<2000x128xf32>
    %add3A_12 = arith.addf %add3A, %get3A_11 : vector<2000x128xf32>
    %get3A_13 = arith.constant 0 : index
    %get3A_14 = arith.constant 0 : index
    %get3A_15 = vector.load %arg3[%get3A_13, %get3A_14] : memref<2000x1xf32, #tpu.memory_space<vmem>>, vector<2000x1xf32>
    %mul3A = vector.broadcast %get3A_15 : vector<2000x1xf32> to vector<2000x128xf32>
    %mul3A_16 = arith.mulf %add3A_12, %mul3A : vector<2000x128xf32>
    %get3A_17 = arith.constant 0 : index
    %get3A_18 = arith.constant 0 : index
    %get3A_19 = vector.load %arg4[%get3A_17, %get3A_18] : memref<1x128xf32, #tpu.memory_space<vmem>>, vector<1x128xf32>
    %add3A_20 = vector.broadcast %get3A_19 : vector<1x128xf32> to vector<2000x128xf32>
    %add3A_21 = arith.addf %mul3A_16, %add3A_20 : vector<2000x128xf32>
    %max3A = arith.constant 0.000000e+00 : f32
    %max3A_22 = vector.broadcast %max3A : f32 to vector<2000x128xf32>
    %max3A_23 = arith.maximumf %add3A_21, %max3A_22 : vector<2000x128xf32>
    %get3A_24 = arith.constant 0 : index
    %get3A_25 = arith.constant 0 : index
    %get3A_26 = vector.load %arg5[%get3A_24, %get3A_25] : memref<1x128xf32, #tpu.memory_space<vmem>>, vector<1x128xf32>
    %mul3A_27 = vector.broadcast %get3A_26 : vector<1x128xf32> to vector<2000x128xf32>
    %mul3A_28 = arith.mulf %max3A_23, %mul3A_27 : vector<2000x128xf32>
    %reduce_sum3A = arith.constant dense<0.000000e+00> : vector<2000xf32>
    %reduce_sum3A_29 = vector.multi_reduction <add>, %mul3A_28, %reduce_sum3A [1] : vector<2000x128xf32> to vector<2000xf32>
    %broadcast_in_dim3A = vector.shape_cast %reduce_sum3A_29 : vector<2000xf32> to vector<2000x1xf32>
    %get3A_30 = arith.constant 0 : index
    %get3A_31 = arith.constant 0 : index
    %get3A_32 = vector.load %arg7[%get3A_30, %get3A_31] : memref<2000x1xi32, #tpu.memory_space<vmem>>, vector<2000x1xi32>
    %iota3A = tpu.iota {dimensions = array<i32: 1>} : vector<2000x64xi32>
    %eq3A = vector.broadcast %get3A_32 : vector<2000x1xi32> to vector<2000x64xi32>
    %eq3A_33 = arith.cmpi eq, %eq3A, %iota3A : vector<2000x64xi32>
    %convert_element_type3A = arith.extui %eq3A_33 : vector<2000x64xi1> to vector<2000x64xi32>
    %convert_element_type3A_34 = arith.sitofp %convert_element_type3A : vector<2000x64xi32> to vector<2000x64xf32>
    %mul3A_35 = vector.broadcast %broadcast_in_dim3A : vector<2000x1xf32> to vector<2000x64xf32>
    %mul3A_36 = arith.mulf %convert_element_type3A_34, %mul3A_35 : vector<2000x64xf32>
    %reduce_sum3A_37 = arith.constant dense<0.000000e+00> : vector<64xf32>
    %reduce_sum3A_38 = vector.multi_reduction <add>, %mul3A_36, %reduce_sum3A_37 [0] : vector<2000x64xf32> to vector<64xf32>
    %broadcast_in_dim3A_39 = vector.shape_cast %reduce_sum3A_38 : vector<64xf32> to vector<1x64xf32>
    %reduce_sum3A_40 = arith.constant dense<0.000000e+00> : vector<64xf32>
    %reduce_sum3A_41 = vector.multi_reduction <add>, %convert_element_type3A_34, %reduce_sum3A_40 [0] : vector<2000x64xf32> to vector<64xf32>
    %broadcast_in_dim3A_42 = vector.shape_cast %reduce_sum3A_41 : vector<64xf32> to vector<1x64xf32>
    %eq3A_43 = arith.constant 0 : i32
    %eq3A_44 = arith.cmpi eq, %arg0, %eq3A_43 : i32
    %convert_element_type3A_45 = arith.extui %eq3A_44 : i1 to i32
    %cond3A = arith.constant 0 : i32
    %cond3A_46 = arith.cmpi ne, %convert_element_type3A_45, %cond3A : i32
    scf.if %cond3A_46 {
      %swap3A = arith.constant 0 : index
      %swap3A_56 = arith.constant 0 : index
      %swap3A_57 = vector.load %arg9[%swap3A, %swap3A_56] : memref<1x64xf32, #tpu.memory_space<vmem>>, vector<1x64xf32>
      tpu.vector_store %arg9[%swap3A, %swap3A_56], %broadcast_in_dim3A_39 {strides = array<i32>} : memref<1x64xf32, #tpu.memory_space<vmem>>, vector<1x64xf32>,
      %swap3A_58 = arith.constant 0 : index
      %swap3A_59 = arith.constant 0 : index
      %swap3A_60 = vector.load %arg10[%swap3A_58, %swap3A_59] : memref<1x64xf32, #tpu.memory_space<vmem>>, vector<1x64xf32>
      tpu.vector_store %arg10[%swap3A_58, %swap3A_59], %broadcast_in_dim3A_42 {strides = array<i32>} : memref<1x64xf32, #tpu.memory_space<vmem>>, vector<1x64xf32>,
    } else {
    }
    %gt3A = arith.constant 0 : i32
    %gt3A_47 = arith.cmpi sgt, %arg0, %gt3A : i32
    %convert_element_type3A_48 = arith.extui %gt3A_47 : i1 to i32
    %cond3A_49 = arith.constant 0 : i32
    %cond3A_50 = arith.cmpi ne, %convert_element_type3A_48, %cond3A_49 : i32
    scf.if %cond3A_50 {
      %get3A_56 = arith.constant 0 : index
      %get3A_57 = arith.constant 0 : index
      %get3A_58 = vector.load %arg9[%get3A_56, %get3A_57] : memref<1x64xf32, #tpu.memory_space<vmem>>, vector<1x64xf32>
      %add3A_59 = arith.addf %get3A_58, %broadcast_in_dim3A_39 : vector<1x64xf32>
      %swap3A = arith.constant 0 : index
      %swap3A_60 = arith.constant 0 : index
      %swap3A_61 = vector.load %arg9[%swap3A, %swap3A_60] : memref<1x64xf32, #tpu.memory_space<vmem>>, vector<1x64xf32>
      tpu.vector_store %arg9[%swap3A, %swap3A_60], %add3A_59 {strides = array<i32>} : memref<1x64xf32, #tpu.memory_space<vmem>>, vector<1x64xf32>,
      %get3A_62 = arith.constant 0 : index
      %get3A_63 = arith.constant 0 : index
      %get3A_64 = vector.load %arg10[%get3A_62, %get3A_63] : memref<1x64xf32, #tpu.memory_space<vmem>>, vector<1x64xf32>
      %add3A_65 = arith.addf %get3A_64, %broadcast_in_dim3A_42 : vector<1x64xf32>
      %swap3A_66 = arith.constant 0 : index
      %swap3A_67 = arith.constant 0 : index
      %swap3A_68 = vector.load %arg10[%swap3A_66, %swap3A_67] : memref<1x64xf32, #tpu.memory_space<vmem>>, vector<1x64xf32>
      tpu.vector_store %arg10[%swap3A_66, %swap3A_67], %add3A_65 {strides = array<i32>} : memref<1x64xf32, #tpu.memory_space<vmem>>, vector<1x64xf32>,
    } else {
    }
    %eq3A_51 = arith.constant 4 : i32
    %eq3A_52 = arith.cmpi eq, %arg0, %eq3A_51 : i32
    %convert_element_type3A_53 = arith.extui %eq3A_52 : i1 to i32
    %cond3A_54 = arith.constant 0 : i32
    %cond3A_55 = arith.cmpi ne, %convert_element_type3A_53, %cond3A_54 : i32
    scf.if %cond3A_55 {
      %get3A_56 = arith.constant 0 : index
      %get3A_57 = arith.constant 0 : index
      %get3A_58 = vector.load %arg9[%get3A_56, %get3A_57] : memref<1x64xf32, #tpu.memory_space<vmem>>, vector<1x64xf32>
      %get3A_59 = arith.constant 0 : index
      %get3A_60 = arith.constant 0 : index
      %get3A_61 = vector.load %arg10[%get3A_59, %get3A_60] : memref<1x64xf32, #tpu.memory_space<vmem>>, vector<1x64xf32>
      %max3A_62 = arith.constant 1.000000e+00 : f32
      %max3A_63 = vector.broadcast %max3A_62 : f32 to vector<1x64xf32>
      %max3A_64 = arith.maximumf %get3A_61, %max3A_63 : vector<1x64xf32>
      %div3A = arith.divf %get3A_58, %max3A_64 : vector<1x64xf32>
      %get3A_65 = arith.constant 0 : index
      %get3A_66 = arith.constant 0 : index
      %get3A_67 = vector.load %arg6[%get3A_65, %get3A_66] : memref<1x1xf32, #tpu.memory_space<vmem>>, vector<1x1xf32>
      %add3A_68 = vector.broadcast %get3A_67 : vector<1x1xf32> to vector<1x64xf32>
      %add3A_69 = arith.addf %div3A, %add3A_68 : vector<1x64xf32>
      %swap3A = arith.constant 0 : index
      %swap3A_70 = arith.constant 0 : index
      %swap3A_71 = vector.load %arg8[%swap3A, %swap3A_70] : memref<1x64xf32, #tpu.memory_space<vmem>>, vector<1x64xf32>
      tpu.vector_store %arg8[%swap3A, %swap3A_70], %add3A_69 {strides = array<i32>} : memref<1x64xf32, #tpu.memory_space<vmem>>, vector<1x64xf32>,
    } else {
    }
    return
  }
  func.func @transform_0(%arg0: i32) -> (i32, i32, i32) {
    %c0_i32 = arith.constant 0 : i32
    %c0_i32_0 = arith.constant 0 : i32
    %c0_i32_1 = arith.constant 0 : i32
    return %c0_i32, %arg0, %c0_i32_0 : i32, i32, i32
  }
  func.func @transform_1(%arg0: i32) -> (i32, i32) {
    %c0_i32 = arith.constant 0 : i32
    %c0_i32_0 = arith.constant 0 : i32
    return %arg0, %c0_i32 : i32, i32
  }
  func.func @transform_2(%arg0: i32) -> (i32, i32) {
    %c0_i32 = arith.constant 0 : i32
    %c0_i32_0 = arith.constant 0 : i32
    return %arg0, %c0_i32 : i32, i32
  }
  func.func @transform_3(%arg0: i32) -> (i32, i32) {
    %c0_i32 = arith.constant 0 : i32
    %c0_i32_0 = arith.constant 0 : i32
    %c0_i32_1 = arith.constant 0 : i32
    return %c0_i32, %c0_i32_0 : i32, i32
  }
  func.func @transform_4(%arg0: i32) -> (i32, i32) {
    %c0_i32 = arith.constant 0 : i32
    %c0_i32_0 = arith.constant 0 : i32
    %c0_i32_1 = arith.constant 0 : i32
    return %c0_i32, %c0_i32_0 : i32, i32
  }
  func.func @transform_5(%arg0: i32) -> (i32, i32) {
    %c0_i32 = arith.constant 0 : i32
    %c0_i32_0 = arith.constant 0 : i32
    %c0_i32_1 = arith.constant 0 : i32
    return %c0_i32, %c0_i32_0 : i32, i32
  }
  func.func @transform_6(%arg0: i32) -> (i32, i32) {
    %c0_i32 = arith.constant 0 : i32
    %c0_i32_0 = arith.constant 0 : i32
    return %arg0, %c0_i32 : i32, i32
  }
  func.func @transform_7(%arg0: i32) -> (i32, i32) {
    %c0_i32 = arith.constant 0 : i32
    %c0_i32_0 = arith.constant 0 : i32
    %c0_i32_1 = arith.constant 0 : i32
    return %c0_i32, %c0_i32_0 : i32, i32
  }
}

</mosaic_0001>

<sc_bundles>
// kernel: kernel.12.cloned.1.call-start
scs
__scs_entry_jumppad:
0x0: {  	(pc) =	sbr.rel $0x88, $3  }
0x1: {  	(tag) =	ssettag $0x0;
	lr =	simm.s32 $0x1  }
0x2: {  	[smem:$0x3F98] =	sst lr;
	_ =	strace $0xD0000000  }
0x3: {  	_ = 	snop  }
0x4: {  	_ = 	snop  }
0x5: {  	_ = 	snop  }
0x6: {  	_ = 	snop  }
0x7: {  	_ = 	snop  }
__scs_overlays_trampoline_lowered:
0x8: {  	[smem:$0x3FA7] =	sst s0  }
0x9: {  	[smem:$0x3FA8] =	sst s1  }
0xa: {  	[smem:$0x3FA9] =	sst s2  }
0xb: {  	[smem:$0x3FAA] =	sst s3  }
0xc: {  	[smem:$0x3FAB] =	sst s4  }
0xd: {  	[smem:$0x3FAC] =	sst s5  }
0xe: {  	[smem:$0x3FAD] =	sst s6  }
0xf: {  	[smem:$0x3FAE] =	sst s7  }
0x10: {  	[smem:$0x3FAF] =	sst s8  }
0x11: {  	[smem:$0x3FB0] =	sst s9;
	s0 =	simm.s32 @!p0 $0x0  }
0x12: {  	s1 =	sld [smem:$0x3F96];
	s0 =	simm.s32 @p0 $0x1  }
0x13: {  	[smem:$0x3FB1] =	sst s0;
	s0 =	simm.s32 @!p1 $0x0  }
0x14: {  	s2 =	sld [smem:$0x3F95];
	s0 =	simm.s32 @p1 $0x1  }
0x15: {  	[smem:$0x3FB2] =	sst s0;
	s0 =	simm.s32 @!p2 $0x0  }
0x16: {  	s3 =	sld [smem:$0x3FDB];
	s0 =	simm.s32 @p2 $0x1  }
0x17: {  	s4 =	simm.s32 $0x1BF5;
	[smem:$0x3FB4] =	sst s0  }
0x18: {  	s0 =	sld [smem:$0x3F97];
	_ =	swait.ge [sflag:s4], $0x0  }
0x19: {  	s7 =	sld [smem:$0x3F98]  }
0x1a: {  	s8 =	sadd.s32 $0xFFFFE003, lr  }
0x1b: {  	s9 =	sadd.s32 $0xFFFFFEF7, lr;
	s5 =	simm.s32 $0xFFFFFFFF;
	p2 =	slt.u32 s8, $0xFFFFF086  }
0x1c: {  	p1 =	slt.u32 s9, $0xF7A;
	s5 =	simm.s32 @!p2 $0x0  }
0x1d: {  	s5 =	simm.s32 @p1 $0x1;
	p0 =	seq.s32 s7, s2  }
0x1e: {  	s7 =	smul.u32 @!p0 $0xF7A, s2;
	p2 =	seq.s32 @!p0 s5, $0x0  }
0x1f: {  	s9 =	smul.u32 $0xF7A, s1;
	s8 =	simm.s32 @!p0 $0x1BF5;
	p2 =	por !p2, p0  }
0x20: {  	[sflag:s8] =	ssyncset.s32 @!p0 $0xFFFFF086;
	s6 =	sadd.s32 @!p0 s3, s7;
	s7 =	simm.s32 @!p0 $0x108  }
0x21: {  	s3 =	sadd.s32 s3, s9;
	s6 =	sadd.s32 @!p0 $0x88, s6;
	s7 =	simm.s32 @p2 $0x1082  }
0x22: {  	[simem:s7], [sflag:s8] =	dma.local @!p0 [hbm:s6], $0xF7A  }
0x23: {  	s9 =	sor.u32 $0xD0000000, s2;
	s6 =	simm.s32 $0x108;
	_ =	swait.ge @!p0 [sflag:s8], $0x0  }
0x24: {  	s3 =	sadd.s32 $0x88, s3;
	s6 =	simm.s32 @!p1 $0x1082;
	[sflag:s4] =	ssyncset.s32 $0xFFFFF086  }
0x25: {  	[simem:s6], [sflag:s4] =	dma.local [hbm:s3], $0xF7A  }
0x26: {  	[smem:$0x3F98] =	sst s1;
	(tag) =	ssettag s2;
	_ =	strace s9  }
0x27: {  	s1 =	sld [smem:$0x3FA8]  }
0x28: {  	s2 =	sld [smem:$0x3FA9]  }
0x29: {  	s4 =	sld [smem:$0x3FAB]  }
0x2a: {  	p0 =	seq.s32 s5, $0x0;
	s5 =	sld [smem:$0x3FAC]  }
0x2b: {  	s6 =	sld [smem:$0x3FAD]  }
0x2c: {  	s7 =	sld [smem:$0x3FAE]  }
0x2d: {  	s3 =	simm.s32 $0x108;
	s8 =	sld [smem:$0x3FAF]  }
0x2e: {  	s3 =	simm.s32 @!p0 $0x1082;
	s9 =	sld [smem:$0x3FB0]  }
0x2f: {  	lr =	sadd.s32 s0, s3;
	s0 =	sld [smem:$0x3FA7]  }
0x30: {  	s3 =	sld [smem:$0x3FAA]  }
0x31: {  	[smem:$0x3FB3] =	sst s10  }
0x32: {  	s10 =	sld [smem:$0x3FB1];
	_ =	sdelay $0x3  }
0x33: {  	p0 =	seq.s32 s10, $0x1;
	s10 =	sld [smem:$0x3FB3];
	_ =	sdelay $0x3  }
0x34: {  	[smem:$0x3FB3] =	sst s10  }
0x35: {  	s10 =	sld [smem:$0x3FB2];
	_ =	sdelay $0x3  }
0x36: {  	p1 =	seq.s32 s10, $0x1;
	s10 =	sld [smem:$0x3FB3];
	_ =	sdelay $0x3  }
0x37: {  	[smem:$0x3FB3] =	sst s10  }
0x38: {  	s10 =	sld [smem:$0x3FB4]  }
0x39: {  	_ = 	snop;
	(pc) =	sbr.ind lr, $3  }
0x3a: {  	_ = 	snop  }
0x3b: {  	_ = 	snop  }
0x3c: {  	p2 =	seq.s32 s10, $0x1;
	s10 =	sld [smem:$0x3FB3]  }
0x3d: {  	_ =	shalt  }
0x3e: {  	_ =	shalt  }
0x3f: {  	_ =	shalt  }
0x40: {  	_ =	shalt  }
0x41: {  	_ =	shalt  }
0x42: {  	_ =	shalt  }
0x43: {  	_ =	shalt  }
0x44: {  	_ =	shalt  }
0x45: {  	_ =	shalt  }
0x46: {  	_ =	shalt  }
0x47: {  	_ =	shalt  }
0x48: {  	_ =	shalt  }
0x49: {  	_ =	shalt  }
0x4a: {  	_ =	shalt  }
0x4b: {  	_ =	shalt  }
0x4c: {  	_ =	shalt  }
0x4d: {  	_ =	shalt  }
0x4e: {  	_ =	shalt  }
0x4f: {  	_ =	shalt  }
0x50: {  	_ =	shalt  }
0x51: {  	_ =	shalt  }
0x52: {  	_ =	shalt  }
0x53: {  	_ =	shalt  }
0x54: {  	_ =	shalt  }
0x55: {  	_ =	shalt  }
0x56: {  	_ =	shalt  }
0x57: {  	_ =	shalt  }
0x58: {  	_ =	shalt  }
0x59: {  	_ =	shalt  }
0x5a: {  	_ =	shalt  }
0x5b: {  	_ =	shalt  }
0x5c: {  	_ =	shalt  }
0x5d: {  	_ =	shalt  }
0x5e: {  	_ =	shalt  }
0x5f: {  	_ =	shalt  }
0x60: {  	_ =	shalt  }
0x61: {  	_ =	shalt  }
0x62: {  	_ =	shalt  }
0x63: {  	_ =	shalt  }
0x64: {  	_ =	shalt  }
0x65: {  	_ =	shalt  }
0x66: {  	_ =	shalt  }
0x67: {  	_ =	shalt  }
0x68: {  	_ =	shalt  }
0x69: {  	_ =	shalt  }
0x6a: {  	_ =	shalt  }
0x6b: {  	_ =	shalt  }
0x6c: {  	_ =	shalt  }
0x6d: {  	_ =	shalt  }
0x6e: {  	_ =	shalt  }
0x6f: {  	_ =	shalt  }
0x70: {  	_ =	shalt  }
0x71: {  	_ =	shalt  }
0x72: {  	_ =	shalt  }
0x73: {  	_ =	shalt  }
0x74: {  	_ =	shalt  }
0x75: {  	_ =	shalt  }
0x76: {  	_ =	shalt  }
0x77: {  	_ =	shalt  }
0x78: {  	_ =	shalt  }
0x79: {  	_ =	shalt  }
0x7a: {  	_ =	shalt  }
0x7b: {  	_ =	shalt  }
0x7c: {  	_ =	shalt  }
0x7d: {  	_ =	shalt  }
0x7e: {  	_ =	shalt  }
0x7f: {  	_ =	shalt  }
0x80: {  	_ =	shalt  }
0x81: {  	_ =	shalt  }
0x82: {  	_ =	shalt  }
0x83: {  	_ =	shalt  }
0x84: {  	_ =	shalt  }
0x85: {  	_ =	shalt  }
0x86: {  	_ =	shalt  }
0x87: {  	_ =	shalt  }
.Lfunc_end0:
.L_simem_size_0:
called_computation.1_lowered:
.L_overlay_start_0:
0x88: {  	s2 =	sld [smem:$0x3FD9]  }
0x89: {  	s3 =	sld [smem:$0x3FFE];
	_ =	sdelay $0x1  }
0x8a: {  	s1 =	srdreg.scid  }
0x8b: {  	s0 =	sand.u32 $0x1, s1  }
0x8c: {  	s16 =	sshll.u32 s0, $0xA;
	s2 =	sadd.s32 s3, s2  }
0x8d: {  	s2 =	sadd.s32 s2, s16  }
0x8e: {  	[smem:$0x3FBF] =	sst s2  }
0x8f: {  	_ = 	snop  }
0x90: {  	(tm) =	ssettm $0x1  }
0x91: {  	s17 =	sld [smem:$0x3FFB];
	_ =	sdelay $0x3  }
0x92: {  	_ =	strace s17  }
0x93: {  	s2 =	sld [smem:$0x3FFC];
	_ =	sdelay $0x3  }
0x94: {  	_ =	strace s2  }
0x95: {  	s2 =	sld [smem:$0x3FFD];
	_ =	sdelay $0x3  }
0x96: {  	_ =	strace s2  }
0x97: {  	_ =	strace $0x8FFFFFFF  }
0x98: {  	s18 =	sld [smem:$0x3FDB];
	_ =	sdelay $0x1  }
0x99: {  	s19 =	simm.s32 $_scs_section_size  }
0x9a: {  	s4 =	simm.s32 $_size__tile_overlayer_lowered;
	s5 =	simm.s32 $_tile_overlayer_lowered  }
0x9b: {  	s22 =	simm.s32 $0x1BFF;
	s21 =	sshll.u32 s5, $0x1;
	s2 =	sadd.s32 s19, s18  }
0x9c: {  	s6 =	simm.s32 $0x0;
	s20 =	sshll.u32 s4, $0x1;
	s4 =	sadd.s32 s21, s2  }
0x9d: {  	[timem:s6], [sflag:s22] =	dma.local [hbm:s4], s20  }
0x9e: {  	_ =	swait.ge [sflag:s22], s20  }
0x9f: {  	s3 =	ssub.s32 $0x0, s20;
	[sflag:s22] =	ssyncset.done $0x0  }
0xa0: {  	[sflag:s22] =	ssyncadd.s32 s3;
	_ =	sdelay $0x1  }
0xa1: {  	s23 =	simm.s32 $0x1B8B  }
0xa2: {  	_ =	swait.ge [sflag:s23], $0x1  }
0xa3: {  	[sflag:s23] =	ssyncset.done $0x0  }
0xa4: {  	s25 =	simm.s32 $0x1B8E;
	s24 =	sld [smem:$0x3FFE];
	[sflag:s23] =	ssyncadd.s32 $0xFFFFFFFF  }
0xa5: {  	s26 =	simm.s32 $execute0_lowered;
	[smem:$0x3FD2] =	sst s25  }
0xa6: {  	s4 =	sshll.u32 s26, $0x1;
	_ =	strace $0x80000049;
	[dreg:$0x1] =	wrdreg $0xFFFFFFFF  }
0xa7: {  	s28 =	simm.s32 $_size_execute0_lowered;
	s2 =	sadd.s32 s2, s4;
	[dreg:$0x0] =	wrdreg $0x0  }
0xa8: {  	s4 =	sshll.u32 s28, $0x1;
	[dreg:$0x2] =	wrdreg s2  }
0xa9: {  	[dreg:$0x3] =	wrdreg s4  }
0xaa: {  	[dreg:$0x4] =	wrdreg $0xC0  }
0xab: {  	_ =	task [dreg:s6], $0x5FFFF  }
0xac: {  	[dreg:$0x1] =	wrdreg $0xFFFFFFFF  }
0xad: {  	[dreg:$0x0] =	wrdreg $0x60  }
0xae: {  	[dreg:$0x2] =	wrdreg s24  }
0xaf: {  	[dreg:$0x3] =	wrdreg $0x70000  }
0xb0: {  	[dreg:$0x4] =	wrdreg $0x9  }
0xb1: {  	_ =	task.clear_ibuf [dreg:s6], $0x5FFFF;
	_ =	strace $0x90000049  }
0xb2: {  	s29 =	simm.s32 $0x9;
	_ =	strace $0x8000004B  }
0xb3: {  	_ =	swait.ge [sflag:s29], $0x1  }
0xb4: {  	[sflag:s29] =	ssyncadd.s32 $0xFFFFFFFF  }
0xb5: {  	_ =	strace $0x9000004B  }
0xb6: {  	_ =	sfence  }
0xb7: {  	s30 =	sld [smem:$0x0];
	_ =	sdelay $0x2  }
0xb8: {  	s31 =	sshll.u32 s1, $0xD;
	s1 =	sshrl.u32 s1, $0x2  }
0xb9: {  	s3 =	sand.u32 $0x4000, s31;
	s1 =	sadd.s32 s1, s30  }
0xba: {  	s0 =	sor.u32 s3, s0;
	s1 =	sshll.u32 s1, $0x11  }
0xbb: {  	s0 =	sor.u32 s1, s0  }
0xbc: {  	s0 =	sadd.s32 $0x8F2B, s0  }
0xbd: {  	[sflag:s0] =	ssyncadd.remote.s32 $0x1  }
0xbe: {  	_ =	sfence.sel $0xFFFF  }
0xbf: {  	[dreg:$0x0] =	wrdreg $0xFFFFFFFF;
	(pc) =	sbr.abs _section_cstart, $3  }
0xc0: {  	[dreg:$0x1] =	wrdreg $0xFFFFFFFF  }
0xc1: {  	_ =	task.clear_ibuf [dreg:s6], $0x2FFFF;
	_ =	strace $0x9FFFFFFF  }
0xc2: {  	(tm) =	ssettm $0x7FFFFFFF  }
0xc3: {  	_ =	shalt  }
tec
execute0_lowered:
.L_overlay_start_1:
0x0: {  	(tag) =	ssettag $0x1  }
0x1: {  	s7 =	rddreg [dreg:$0x0]  }
0x2: {  	s2 =	rddreg [dreg:$0x1]  }
0x3: {  	s0 =	rddreg [dreg:$0x2];
	s1 =	stileid.u32  }
0x4: {  	s4 =	srdreg.scid;
	s3 =	simm.s32 $0x0;
	s15 =	simm.s32 $0x50  }
0x5: {  	s16 =	simm.s32 $0x2000;
	s17 =	simm.s32 $0x4800;
	s18 =	simm.s32 $0x1  }
0x6: {  	s19 =	simm.s32 $0x2;
	s20 =	simm.s32 $0xB80;
	s21 =	simm.s32 $0x1B00  }
0x7: {  	s22 =	simm.s32 $0x1B80;
	s23 =	simm.s32 $0xC00;
	s24 =	simm.s32 $0x1C00  }
0x8: {  	s8 =	smul.u32 $0x14000, s1;
	s9 =	sand.u32 $0x1, s4;
	[smem:$0x7FF] =	sst s3  }
0x9: {  	s4 =	sadd.s32 $0x49200, s7;
	s5 =	sadd.s32 $0x35200, s7;
	s12 =	smul.u32 $0x50000, s1  }
0xa: {  	s6 =	sadd.s32 $0x21200, s7;
	s31 =	sshll.u32 s1, $0x6;
	s10 =	smul.u32 $0x140000, s9  }
0xb: {  	_ =	strace $0x8000004A;
	s26 =	ssub.s32 $0x2, s9;
	s29 =	sshll.u32 s9, $0x4  }
0xc: {  	s11 =	sshrl.u32 s8, $0x3;
	s28 =	sshrl.u32 s26, $0x1;
	s30 =	sshrl.u32 s12, $0x2  }
0xd: {  	s9 =	sor.u32 s1, s29;
	s8 =	sadd.s32 s8, s10;
	s11 =	sadd.s32 s11, s7  }
0xe: {  	s14 =	ssub.s32 s26, s28;
	s12 =	sadd.s32 s30, s2;
	s8 =	sshrl.u32 s8, $0x3  }
0xf: {  	s9 =	smul.u32 $0x5000, s9;
	s12 =	sshrl.u32 s12, $0x3;
	s13 =	sadd.s32 s8, s7  }
0x10: {  	s7 =	sadd.s32 $0x70400, s11;
	s8 =	sor.u32 $0x1C03, s31;
	s11 =	smax.u32 s14, $0x1  }
0x11: {  	s14 =	simm.s32 $0x1000;
	s10 =	sadd.s32 $0x98400, s13;
	s13 =	simm.s32 $0x3  }
.LBB2_1:
0x12: {  	[spmem:s12], [sflag:s8] =	dma.local [hbm:s7], $0x2800  }
0x13: {  	_ =	swait.ge [sflag:s13], $0x2800  }
0x14: {  	[sflag:s13] =	ssyncset.done $0x0  }
0x15: {  	[sflag:s13] =	ssyncadd.s32 $0xFFFFD800  }
0x16: {  	s25 =	simm.s32 $0x0;
	[bflag:$0x0] =	sbarrier.arrive $0xFFFF  }
.LBB2_2:
0x17: {  	s26 =	sshll.u32 s25, $0xC  }
0x18: {  	s26 =	sadd.s32 s9, s26  }
0x19: {  	s26 =	sshrl.u32 s26, $0x3  }
0x1a: {  	s29 =	simm.s32 $0x0;
	s28 =	sadd.s32 s5, s26  }
0x1b: {  	[tilespmem:s29], [sflag:$0x3] =	stream.linear.gather [hbm4b:s28+s29], $0xC80, $0x38;
	[tilespmem:$0x1B000] =	vst v63  }
0x1c: {  	_ =	swait.ge [sflag:s13], $0xC80  }
0x1d: {  	[sflag:s13] =	ssyncset.done $0x0  }
0x1e: {  	s26 =	sadd.s32 s6, s26;
	[sflag:s13] =	ssyncadd.s32 $0xFFFFF380  }
0x1f: {  	[tilespmem:s14], [sflag:$0x3] =	stream.linear.gather [hbm4b:s26+s29], $0xC80, $0x38;
	[tilespmem:$0x1B000] =	vst v63  }
0x20: {  	_ =	swait.ge [sflag:s13], $0xC80  }
0x21: {  	[sflag:s13] =	ssyncset.done $0x0  }
0x22: {  	[sflag:s13] =	ssyncadd.s32 $0xFFFFF380  }
0x23: {  	[tilespmem:s16], [sflag:$0x1] =	stream.indirect.gather [hbm4b:s4+s15], $0x80, s29, s15, $0xb8;
	[tilespmem:$0x1B000] =	vst v63  }
0x24: {  	s31 =	simm.s32 $0x80  }
0x25: {  	[tilespmem:s17], [sflag:$0x2] =	stream.indirect.gather [hbm4b:s4+s15], $0x80, s31, s15, $0xb8;
	[tilespmem:$0x1B000] =	vst v63  }
0x26: {  	_ =	swait.ge [sflag:s18], $0x2800  }
0x27: {  	[sflag:s18] =	ssyncset.done $0x0  }
0x28: {  	s29 =	simm.s32 $0x1000;
	[sflag:s18] =	ssyncadd.s32 $0xFFFFD800  }
0x29: {  	[spmem:s2] =	stream.indirect.scatter.add.f32 [tilespmem:s16], [sflag:$0x3], $0x80, s29, s15, $0xb8;
	[tilespmem:$0x1B000] =	vst v63  }
0x2a: {  	_ =	swait.ge [sflag:s13], $0x2800  }
0x2b: {  	[sflag:s13] =	ssyncset.done $0x0  }
0x2c: {  	s30 =	simm.s32 $0x100;
	[sflag:s13] =	ssyncadd.s32 $0xFFFFD800  }
0x2d: {  	[tilespmem:s16], [sflag:$0x1] =	stream.indirect.gather [hbm4b:s4+s15], $0x80, s30, s15, $0xb8;
	[tilespmem:$0x1B000] =	vst v63  }
0x2e: {  	_ =	swait.ge [sflag:s19], $0x2800  }
0x2f: {  	[sflag:s19] =	ssyncset.done $0x0  }
0x30: {  	s31 =	simm.s32 $0x1080;
	[sflag:s19] =	ssyncadd.s32 $0xFFFFD800  }
0x31: {  	[spmem:s2] =	stream.indirect.scatter.add.f32 [tilespmem:s17], [sflag:$0x3], $0x80, s31, s15, $0xb8;
	[tilespmem:$0x1B000] =	vst v63  }
0x32: {  	_ =	swait.ge [sflag:s13], $0x2800  }
0x33: {  	s28 =	simm.s32 $0x800;
	s26 =	simm.s32 $0x100;
	[sflag:s13] =	ssyncset.done $0x0  }
.LBB2_3:
0x34: {  	s29 =	sadd.s32 $0x80, s26  }
0x35: {  	[sflag:s13] =	ssyncadd.s32 $0xFFFFD800;
	s30 =	smov.u32 s28;
	s31 =	sadd.s32 $0x400, s28  }
0x36: {  	[tilespmem:s17], [sflag:$0x2] =	stream.indirect.gather [hbm4b:s4+s15], $0x80, s29, s15, $0xb8;
	[tilespmem:$0x1B000] =	vst v63  }
0x37: {  	p0 =	sne.s32 s28, $0x2800;
	_ =	swait.ge [sflag:s18], $0x2800  }
0x38: {  	[sflag:s18] =	ssyncset.done $0x0  }
0x39: {  	s28 =	sadd.s32 $0x1000, s26;
	[sflag:s18] =	ssyncadd.s32 $0xFFFFD800  }
0x3a: {  	[spmem:s2] =	stream.indirect.scatter.add.f32 [tilespmem:s16], [sflag:$0x3], $0x80, s28, s15, $0xb8;
	[tilespmem:$0x1B000] =	vst v63  }
0x3b: {  	_ =	swait.ge [sflag:s13], $0x2800  }
0x3c: {  	[sflag:s13] =	ssyncset.done $0x0  }
0x3d: {  	s28 =	sadd.s32 $0x100, s26;
	[sflag:s13] =	ssyncadd.s32 $0xFFFFD800  }
0x3e: {  	[tilespmem:s16], [sflag:$0x1] =	stream.indirect.gather [hbm4b:s4+s15], $0x80, s28, s15, $0xb8;
	[tilespmem:$0x1B000] =	vst v63  }
0x3f: {  	_ =	swait.ge [sflag:s19], $0x2800  }
.Ltmp0:
0x40: {  	[sflag:s19] =	ssyncset.done $0x0;
	(pc) =	sbr.rel @p0 .LBB2_3-.Ltmp0, $4  }
0x41: {  	s26 =	sadd.s32 $0x1080, s26;
	[sflag:s19] =	ssyncadd.s32 $0xFFFFD800  }
0x42: {  	[spmem:s2] =	stream.indirect.scatter.add.f32 [tilespmem:s17], [sflag:$0x3], $0x80, s26, s15, $0xb8;
	[tilespmem:$0x1B000] =	vst v63  }
0x43: {  	_ =	swait.ge [sflag:s13], $0x2800  }
0x44: {  	s28 =	smov.u32 s31;
	s26 =	sshra.s32 s30, $0x2;
	[sflag:s13] =	ssyncset.done $0x0  }
0x45: {  	s28 =	sadd.s32 $0x80, s26;
	[sflag:s13] =	ssyncadd.s32 $0xFFFFD800  }
0x46: {  	[tilespmem:s17], [sflag:$0x2] =	stream.indirect.gather [hbm4b:s4+s15], $0x80, s28, s15, $0xb8;
	[tilespmem:$0x1B000] =	vst v63  }
0x47: {  	_ =	swait.ge [sflag:s18], $0x2800  }
0x48: {  	[sflag:s18] =	ssyncset.done $0x0  }
0x49: {  	s29 =	sadd.s32 $0x1000, s26;
	[sflag:s18] =	ssyncadd.s32 $0xFFFFD800  }
0x4a: {  	[spmem:s2] =	stream.indirect.scatter.add.f32 [tilespmem:s16], [sflag:$0x3], $0x80, s29, s15, $0xb8;
	[tilespmem:$0x1B000] =	vst v63  }
0x4b: {  	_ =	swait.ge [sflag:s13], $0x2800  }
0x4c: {  	[sflag:s13] =	ssyncset.done $0x0  }
0x4d: {  	s30 =	sadd.s32 $0x100, s26;
	[sflag:s13] =	ssyncadd.s32 $0xFFFFD800  }
0x4e: {  	[tilespmem:s16], [sflag:$0x1] =	stream.indirect.gather [hbm4b:s4+s15], $0x80, s30, s15, $0xb8;
	[tilespmem:$0x1B000] =	vst v63  }
0x4f: {  	_ =	swait.ge [sflag:s19], $0x2800  }
0x50: {  	[sflag:s19] =	ssyncset.done $0x0  }
0x51: {  	s31 =	sadd.s32 $0x1080, s26;
	[sflag:s19] =	ssyncadd.s32 $0xFFFFD800  }
0x52: {  	[spmem:s2] =	stream.indirect.scatter.add.f32 [tilespmem:s17], [sflag:$0x3], $0x80, s31, s15, $0xb8;
	[tilespmem:$0x1B000] =	vst v63  }
0x53: {  	_ =	swait.ge [sflag:s13], $0x2800  }
0x54: {  	[sflag:s13] =	ssyncset.done $0x0  }
0x55: {  	[sflag:s13] =	ssyncadd.s32 $0xFFFFD800  }
0x56: {  	[tilespmem:s17], [sflag:$0x2] =	stream.indirect.gather [hbm4b:s4+s15], $0x80, s20, s15, $0xb8;
	[tilespmem:$0x1B000] =	vst v63  }
0x57: {  	_ =	swait.ge [sflag:s18], $0x2800  }
0x58: {  	[sflag:s18] =	ssyncset.done $0x0  }
0x59: {  	[sflag:s18] =	ssyncadd.s32 $0xFFFFD800  }
0x5a: {  	[spmem:s2] =	stream.indirect.scatter.add.f32 [tilespmem:s16], [sflag:$0x3], $0x80, s21, s15, $0xb8;
	[tilespmem:$0x1B000] =	vst v63  }
0x5b: {  	_ =	swait.ge [sflag:s13], $0x2800  }
0x5c: {  	[sflag:s13] =	ssyncset.done $0x0  }
0x5d: {  	[sflag:s13] =	ssyncadd.s32 $0xFFFFD800  }
0x5e: {  	_ =	swait.ge [sflag:s19], $0x2800  }
0x5f: {  	[sflag:s19] =	ssyncset.done $0x0  }
0x60: {  	[sflag:s19] =	ssyncadd.s32 $0xFFFFD800  }
0x61: {  	[spmem:s2] =	stream.indirect.scatter.add.f32 [tilespmem:s17], [sflag:$0x3], $0x80, s22, s15, $0xb8;
	[tilespmem:$0x1B000] =	vst v63  }
0x62: {  	_ =	swait.ge [sflag:s13], $0x2800  }
0x63: {  	[sflag:s13] =	ssyncset.done $0x0  }
0x64: {  	[sflag:s13] =	ssyncadd.s32 $0xFFFFD800  }
0x65: {  	[tilespmem:s16], [sflag:$0x1] =	stream.indirect.gather [hbm4b:s4+s15], $0x80, s23, s15, $0xb8;
	[tilespmem:$0x1B000] =	vst v63  }
0x66: {  	s25 =	sadd.s32 $0x1, s25;
	_ =	swait.ge [sflag:s18], $0x2800  }
0x67: {  	p0 =	sne.s32 s25, $0x5;
	[sflag:s18] =	ssyncset.done $0x0  }
.Ltmp1:
0x68: {  	[sflag:s18] =	ssyncadd.s32 $0xFFFFD800;
	(pc) =	sbr.rel @p0 .LBB2_2-.Ltmp1, $4  }
0x69: {  	[spmem:s2] =	stream.indirect.scatter.add.f32 [tilespmem:s16], [sflag:$0x3], $0x80, s24, s15, $0xb8;
	[tilespmem:$0x1B000] =	vst v63  }
0x6a: {  	_ =	swait.ge [sflag:s13], $0x2800  }
0x6b: {  	[sflag:s13] =	ssyncset.done $0x0  }
0x6c: {  	[sflag:s13] =	ssyncadd.s32 $0xFFFFD800  }
0x6d: {  	s3 =	sadd.s32 $0x1, s3  }
0x6e: {  	p0 =	sne.s32 s3, s11  }
.Ltmp2:
0x6f: {  	[bflag:$0x0] =	sbarrier.arrive $0xFFFF;
	(pc) =	sbr.rel @p0 .LBB2_1-.Ltmp2, $4  }
0x70: {  	[hbm:s10], [sflag:s8] =	dma.local [spmem:s12], $0x2800  }
0x71: {  	_ =	swait.ge [sflag:s13], $0x2800  }
0x72: {  	[sflag:s13] =	ssyncset.done $0x0  }
0x73: {  	[sflag:s13] =	ssyncadd.s32 $0xFFFFD800  }
0x74: {  	_ =	sfence.sel $0x180000  }
0x75: {  	[bflag:$0x0] =	sbarrier.arrive $0xFFFF  }
0x76: {  	p0 =	sne.s32 s1, $0x0;
	_ =	strace $0x9000004A  }
0x77: {  	s0 =	sadd.s32 @!p0 $0x100000, s0;
	[bflag:$0x2] =	sbarrier.arrive $0xFFFF  }
0x78: {  	[sflag:s0] =	ssyncadd.tile.s32 @!p0 $0x1;
	_ =	shalt  }
.Lfunc_end2:
_tile_overlayer_lowered:
.L_overlay_start_2:
0x79: {  	(tag) =	ssettag $0x2  }
0x7a: {  	s0 =	rddreg [dreg:$0x0];
	s2 =	stileid.u32  }
0x7b: {  	s1 =	rddreg [dreg:$0x1];
	p0 =	sne.s32 s2, $0x0  }
0x7c: {  	s3 =	rddreg [dreg:$0x2];
	[bflag:$0x3] =	sbarrier.arrive $0xFFFF;
	s2 =	simm.s32 @!p0 $0x1C03  }
0x7d: {  	[timem:s3], [sflag:s2] =	dma.local @!p0 [hbm:s0], s1  }
0x7e: {  	s0 =	simm.s32 @!p0 $0x3  }
0x7f: {  	_ =	swait.ge @!p0 [sflag:s0], s1  }
0x80: {  	s1 =	ssub.s32 @!p0 $0x0, s1;
	[sflag:s0] =	ssyncset.done @!p0 $0x0  }
0x81: {  	[sflag:s0] =	ssyncadd.s32 @!p0 s1  }
0x82: {  	[bflag:$0x3] =	sbarrier.arrive $0xFFFF  }
0x83: {  	_ =	shalt  }

// kernel: kernel.15.cloned.1.call-start
scs
__scs_entry_jumppad:
0x0: {  	(pc) =	sbr.rel $0x88, $3  }
0x1: {  	(tag) =	ssettag $0x0;
	lr =	simm.s32 $0x1  }
0x2: {  	[smem:$0x3F98] =	sst lr;
	_ =	strace $0xD0000000  }
0x3: {  	_ = 	snop  }
0x4: {  	_ = 	snop  }
0x5: {  	_ = 	snop  }
0x6: {  	_ = 	snop  }
0x7: {  	_ = 	snop  }
__scs_overlays_trampoline_lowered:
0x8: {  	[smem:$0x3FA7] =	sst s0  }
0x9: {  	[smem:$0x3FA8] =	sst s1  }
0xa: {  	[smem:$0x3FA9] =	sst s2  }
0xb: {  	[smem:$0x3FAA] =	sst s3  }
0xc: {  	[smem:$0x3FAB] =	sst s4  }
0xd: {  	[smem:$0x3FAC] =	sst s5  }
0xe: {  	[smem:$0x3FAD] =	sst s6  }
0xf: {  	[smem:$0x3FAE] =	sst s7  }
0x10: {  	[smem:$0x3FAF] =	sst s8  }
0x11: {  	[smem:$0x3FB0] =	sst s9;
	s0 =	simm.s32 @!p0 $0x0  }
0x12: {  	s1 =	sld [smem:$0x3F96];
	s0 =	simm.s32 @p0 $0x1  }
0x13: {  	[smem:$0x3FB1] =	sst s0;
	s0 =	simm.s32 @!p1 $0x0  }
0x14: {  	s2 =	sld [smem:$0x3F95];
	s0 =	simm.s32 @p1 $0x1  }
0x15: {  	[smem:$0x3FB2] =	sst s0;
	s0 =	simm.s32 @!p2 $0x0  }
0x16: {  	s3 =	sld [smem:$0x3FDB];
	s0 =	simm.s32 @p2 $0x1  }
0x17: {  	s4 =	simm.s32 $0x1BF5;
	[smem:$0x3FB4] =	sst s0  }
0x18: {  	s0 =	sld [smem:$0x3F97];
	_ =	swait.ge [sflag:s4], $0x0  }
0x19: {  	s7 =	sld [smem:$0x3F98]  }
0x1a: {  	s8 =	sadd.s32 $0xFFFFE003, lr  }
0x1b: {  	s9 =	sadd.s32 $0xFFFFFEF7, lr;
	s5 =	simm.s32 $0xFFFFFFFF;
	p2 =	slt.u32 s8, $0xFFFFF086  }
0x1c: {  	p1 =	slt.u32 s9, $0xF7A;
	s5 =	simm.s32 @!p2 $0x0  }
0x1d: {  	s5 =	simm.s32 @p1 $0x1;
	p0 =	seq.s32 s7, s2  }
0x1e: {  	s7 =	smul.u32 @!p0 $0xF7A, s2;
	p2 =	seq.s32 @!p0 s5, $0x0  }
0x1f: {  	s9 =	smul.u32 $0xF7A, s1;
	s8 =	simm.s32 @!p0 $0x1BF5;
	p2 =	por !p2, p0  }
0x20: {  	[sflag:s8] =	ssyncset.s32 @!p0 $0xFFFFF086;
	s6 =	sadd.s32 @!p0 s3, s7;
	s7 =	simm.s32 @!p0 $0x108  }
0x21: {  	s3 =	sadd.s32 s3, s9;
	s6 =	sadd.s32 @!p0 $0x88, s6;
	s7 =	simm.s32 @p2 $0x1082  }
0x22: {  	[simem:s7], [sflag:s8] =	dma.local @!p0 [hbm:s6], $0xF7A  }
0x23: {  	s9 =	sor.u32 $0xD0000000, s2;
	s6 =	simm.s32 $0x108;
	_ =	swait.ge @!p0 [sflag:s8], $0x0  }
0x24: {  	s3 =	sadd.s32 $0x88, s3;
	s6 =	simm.s32 @!p1 $0x1082;
	[sflag:s4] =	ssyncset.s32 $0xFFFFF086  }
0x25: {  	[simem:s6], [sflag:s4] =	dma.local [hbm:s3], $0xF7A  }
0x26: {  	[smem:$0x3F98] =	sst s1;
	(tag) =	ssettag s2;
	_ =	strace s9  }
0x27: {  	s1 =	sld [smem:$0x3FA8]  }
0x28: {  	s2 =	sld [smem:$0x3FA9]  }
0x29: {  	s4 =	sld [smem:$0x3FAB]  }
0x2a: {  	p0 =	seq.s32 s5, $0x0;
	s5 =	sld [smem:$0x3FAC]  }
0x2b: {  	s6 =	sld [smem:$0x3FAD]  }
0x2c: {  	s7 =	sld [smem:$0x3FAE]  }
0x2d: {  	s3 =	simm.s32 $0x108;
	s8 =	sld [smem:$0x3FAF]  }
0x2e: {  	s3 =	simm.s32 @!p0 $0x1082;
	s9 =	sld [smem:$0x3FB0]  }
0x2f: {  	lr =	sadd.s32 s0, s3;
	s0 =	sld [smem:$0x3FA7]  }
0x30: {  	s3 =	sld [smem:$0x3FAA]  }
0x31: {  	[smem:$0x3FB3] =	sst s10  }
0x32: {  	s10 =	sld [smem:$0x3FB1];
	_ =	sdelay $0x3  }
0x33: {  	p0 =	seq.s32 s10, $0x1;
	s10 =	sld [smem:$0x3FB3];
	_ =	sdelay $0x3  }
0x34: {  	[smem:$0x3FB3] =	sst s10  }
0x35: {  	s10 =	sld [smem:$0x3FB2];
	_ =	sdelay $0x3  }
0x36: {  	p1 =	seq.s32 s10, $0x1;
	s10 =	sld [smem:$0x3FB3];
	_ =	sdelay $0x3  }
0x37: {  	[smem:$0x3FB3] =	sst s10  }
0x38: {  	s10 =	sld [smem:$0x3FB4]  }
0x39: {  	_ = 	snop;
	(pc) =	sbr.ind lr, $3  }
0x3a: {  	_ = 	snop  }
0x3b: {  	_ = 	snop  }
0x3c: {  	p2 =	seq.s32 s10, $0x1;
	s10 =	sld [smem:$0x3FB3]  }
0x3d: {  	_ =	shalt  }
0x3e: {  	_ =	shalt  }
0x3f: {  	_ =	shalt  }
0x40: {  	_ =	shalt  }
0x41: {  	_ =	shalt  }
0x42: {  	_ =	shalt  }
0x43: {  	_ =	shalt  }
0x44: {  	_ =	shalt  }
0x45: {  	_ =	shalt  }
0x46: {  	_ =	shalt  }
0x47: {  	_ =	shalt  }
0x48: {  	_ =	shalt  }
0x49: {  	_ =	shalt  }
0x4a: {  	_ =	shalt  }
0x4b: {  	_ =	shalt  }
0x4c: {  	_ =	shalt  }
0x4d: {  	_ =	shalt  }
0x4e: {  	_ =	shalt  }
0x4f: {  	_ =	shalt  }
0x50: {  	_ =	shalt  }
0x51: {  	_ =	shalt  }
0x52: {  	_ =	shalt  }
0x53: {  	_ =	shalt  }
0x54: {  	_ =	shalt  }
0x55: {  	_ =	shalt  }
0x56: {  	_ =	shalt  }
0x57: {  	_ =	shalt  }
0x58: {  	_ =	shalt  }
0x59: {  	_ =	shalt  }
0x5a: {  	_ =	shalt  }
0x5b: {  	_ =	shalt  }
0x5c: {  	_ =	shalt  }
0x5d: {  	_ =	shalt  }
0x5e: {  	_ =	shalt  }
0x5f: {  	_ =	shalt  }
0x60: {  	_ =	shalt  }
0x61: {  	_ =	shalt  }
0x62: {  	_ =	shalt  }
0x63: {  	_ =	shalt  }
0x64: {  	_ =	shalt  }
0x65: {  	_ =	shalt  }
0x66: {  	_ =	shalt  }
0x67: {  	_ =	shalt  }
0x68: {  	_ =	shalt  }
0x69: {  	_ =	shalt  }
0x6a: {  	_ =	shalt  }
0x6b: {  	_ =	shalt  }
0x6c: {  	_ =	shalt  }
0x6d: {  	_ =	shalt  }
0x6e: {  	_ =	shalt  }
0x6f: {  	_ =	shalt  }
0x70: {  	_ =	shalt  }
0x71: {  	_ =	shalt  }
0x72: {  	_ =	shalt  }
0x73: {  	_ =	shalt  }
0x74: {  	_ =	shalt  }
0x75: {  	_ =	shalt  }
0x76: {  	_ =	shalt  }
0x77: {  	_ =	shalt  }
0x78: {  	_ =	shalt  }
0x79: {  	_ =	shalt  }
0x7a: {  	_ =	shalt  }
0x7b: {  	_ =	shalt  }
0x7c: {  	_ =	shalt  }
0x7d: {  	_ =	shalt  }
0x7e: {  	_ =	shalt  }
0x7f: {  	_ =	shalt  }
0x80: {  	_ =	shalt  }
0x81: {  	_ =	shalt  }
0x82: {  	_ =	shalt  }
0x83: {  	_ =	shalt  }
0x84: {  	_ =	shalt  }
0x85: {  	_ =	shalt  }
0x86: {  	_ =	shalt  }
0x87: {  	_ =	shalt  }
.Lfunc_end0:
.L_simem_size_0:
called_computation.2_lowered:
.L_overlay_start_0:
0x88: {  	s2 =	sld [smem:$0x3FD9]  }
0x89: {  	s3 =	sld [smem:$0x3FFE];
	_ =	sdelay $0x1  }
0x8a: {  	s1 =	srdreg.scid  }
0x8b: {  	s0 =	sand.u32 $0x1, s1  }
0x8c: {  	s16 =	sshll.u32 s0, $0xA;
	s2 =	sadd.s32 s3, s2  }
0x8d: {  	s2 =	sadd.s32 s2, s16  }
0x8e: {  	[smem:$0x3FBF] =	sst s2  }
0x8f: {  	_ = 	snop  }
0x90: {  	(tm) =	ssettm $0x1  }
0x91: {  	s17 =	sld [smem:$0x3FFB];
	_ =	sdelay $0x3  }
0x92: {  	_ =	strace s17  }
0x93: {  	s2 =	sld [smem:$0x3FFC];
	_ =	sdelay $0x3  }
0x94: {  	_ =	strace s2  }
0x95: {  	s2 =	sld [smem:$0x3FFD];
	_ =	sdelay $0x3  }
0x96: {  	_ =	strace s2  }
0x97: {  	_ =	strace $0x8FFFFFFF  }
0x98: {  	s18 =	sld [smem:$0x3FDB];
	_ =	sdelay $0x1  }
0x99: {  	s19 =	simm.s32 $_scs_section_size  }
0x9a: {  	s4 =	simm.s32 $_size__tile_overlayer_lowered;
	s5 =	simm.s32 $_tile_overlayer_lowered  }
0x9b: {  	s22 =	simm.s32 $0x1BFF;
	s21 =	sshll.u32 s5, $0x1;
	s2 =	sadd.s32 s19, s18  }
0x9c: {  	s6 =	simm.s32 $0x0;
	s20 =	sshll.u32 s4, $0x1;
	s4 =	sadd.s32 s21, s2  }
0x9d: {  	[timem:s6], [sflag:s22] =	dma.local [hbm:s4], s20  }
0x9e: {  	_ =	swait.ge [sflag:s22], s20  }
0x9f: {  	s3 =	ssub.s32 $0x0, s20;
	[sflag:s22] =	ssyncset.done $0x0  }
0xa0: {  	[sflag:s22] =	ssyncadd.s32 s3;
	_ =	sdelay $0x1  }
0xa1: {  	s23 =	simm.s32 $0x1B8B  }
0xa2: {  	_ =	swait.ge [sflag:s23], $0x1  }
0xa3: {  	[sflag:s23] =	ssyncset.done $0x0  }
0xa4: {  	s25 =	simm.s32 $0x1B8E;
	s24 =	sld [smem:$0x3FFE];
	[sflag:s23] =	ssyncadd.s32 $0xFFFFFFFF  }
0xa5: {  	s26 =	simm.s32 $execute0_lowered;
	[smem:$0x3FD2] =	sst s25  }
0xa6: {  	s4 =	sshll.u32 s26, $0x1;
	_ =	strace $0x8000004C;
	[dreg:$0x1] =	wrdreg $0xFFFFFFFF  }
0xa7: {  	s28 =	simm.s32 $_size_execute0_lowered;
	s2 =	sadd.s32 s2, s4;
	[dreg:$0x0] =	wrdreg $0x0  }
0xa8: {  	s4 =	sshll.u32 s28, $0x1;
	[dreg:$0x2] =	wrdreg s2  }
0xa9: {  	[dreg:$0x3] =	wrdreg s4  }
0xaa: {  	[dreg:$0x4] =	wrdreg $0xC0  }
0xab: {  	_ =	task [dreg:s6], $0x5FFFF  }
0xac: {  	[dreg:$0x1] =	wrdreg $0xFFFFFFFF  }
0xad: {  	[dreg:$0x0] =	wrdreg $0x60  }
0xae: {  	[dreg:$0x2] =	wrdreg s24  }
0xaf: {  	[dreg:$0x3] =	wrdreg $0x70000  }
0xb0: {  	[dreg:$0x4] =	wrdreg $0x9  }
0xb1: {  	_ =	task.clear_ibuf [dreg:s6], $0x5FFFF;
	_ =	strace $0x9000004C  }
0xb2: {  	s29 =	simm.s32 $0x9;
	_ =	strace $0x8000004E  }
0xb3: {  	_ =	swait.ge [sflag:s29], $0x1  }
0xb4: {  	[sflag:s29] =	ssyncadd.s32 $0xFFFFFFFF  }
0xb5: {  	_ =	strace $0x9000004E  }
0xb6: {  	_ =	sfence  }
0xb7: {  	s30 =	sld [smem:$0x0];
	_ =	sdelay $0x2  }
0xb8: {  	s31 =	sshll.u32 s1, $0xD;
	s1 =	sshrl.u32 s1, $0x2  }
0xb9: {  	s3 =	sand.u32 $0x4000, s31;
	s1 =	sadd.s32 s1, s30  }
0xba: {  	s0 =	sor.u32 s3, s0;
	s1 =	sshll.u32 s1, $0x11  }
0xbb: {  	s0 =	sor.u32 s1, s0  }
0xbc: {  	s0 =	sadd.s32 $0x8F2B, s0  }
0xbd: {  	[sflag:s0] =	ssyncadd.remote.s32 $0x1  }
0xbe: {  	_ =	sfence.sel $0xFFFF  }
0xbf: {  	[dreg:$0x0] =	wrdreg $0xFFFFFFFF;
	(pc) =	sbr.abs _section_cstart, $3  }
0xc0: {  	[dreg:$0x1] =	wrdreg $0xFFFFFFFF  }
0xc1: {  	_ =	task.clear_ibuf [dreg:s6], $0x2FFFF;
	_ =	strace $0x9FFFFFFF  }
0xc2: {  	(tm) =	ssettm $0x7FFFFFFF  }
0xc3: {  	_ =	shalt  }
tec
execute0_lowered:
.L_overlay_start_1:
0x0: {  	(tag) =	ssettag $0x1  }
0x1: {  	s7 =	rddreg [dreg:$0x0]  }
0x2: {  	s2 =	rddreg [dreg:$0x1]  }
0x3: {  	s0 =	rddreg [dreg:$0x2];
	s1 =	stileid.u32  }
0x4: {  	s4 =	srdreg.scid;
	s3 =	simm.s32 $0x0;
	s15 =	simm.s32 $0x50  }
0x5: {  	s16 =	simm.s32 $0x2000;
	s17 =	simm.s32 $0x4800;
	s18 =	simm.s32 $0x1  }
0x6: {  	s19 =	simm.s32 $0x2;
	s20 =	simm.s32 $0xB80;
	s21 =	simm.s32 $0x1B00  }
0x7: {  	s22 =	simm.s32 $0x1B80;
	s23 =	simm.s32 $0xC00;
	s24 =	simm.s32 $0x1C00  }
0x8: {  	s8 =	smul.u32 $0x14000, s1;
	s9 =	sand.u32 $0x1, s4;
	[smem:$0x7FF] =	sst s3  }
0x9: {  	s4 =	sadd.s32 $0x49200, s7;
	s5 =	sadd.s32 $0x35200, s7;
	s12 =	smul.u32 $0x50000, s1  }
0xa: {  	s6 =	sadd.s32 $0x21200, s7;
	s31 =	sshll.u32 s1, $0x6;
	s10 =	smul.u32 $0x140000, s9  }
0xb: {  	_ =	strace $0x8000004D;
	s26 =	ssub.s32 $0x2, s9;
	s29 =	sshll.u32 s9, $0x4  }
0xc: {  	s11 =	sshrl.u32 s8, $0x3;
	s28 =	sshrl.u32 s26, $0x1;
	s30 =	sshrl.u32 s12, $0x2  }
0xd: {  	s9 =	sor.u32 s1, s29;
	s8 =	sadd.s32 s8, s10;
	s11 =	sadd.s32 s11, s7  }
0xe: {  	s14 =	ssub.s32 s26, s28;
	s12 =	sadd.s32 s30, s2;
	s8 =	sshrl.u32 s8, $0x3  }
0xf: {  	s9 =	smul.u32 $0x5000, s9;
	s12 =	sshrl.u32 s12, $0x3;
	s13 =	sadd.s32 s8, s7  }
0x10: {  	s7 =	sadd.s32 $0x70400, s11;
	s8 =	sor.u32 $0x1C03, s31;
	s11 =	smax.u32 s14, $0x1  }
0x11: {  	s14 =	simm.s32 $0x1000;
	s10 =	sadd.s32 $0x98400, s13;
	s13 =	simm.s32 $0x3  }
.LBB2_1:
0x12: {  	[spmem:s12], [sflag:s8] =	dma.local [hbm:s7], $0x2800  }
0x13: {  	_ =	swait.ge [sflag:s13], $0x2800  }
0x14: {  	[sflag:s13] =	ssyncset.done $0x0  }
0x15: {  	[sflag:s13] =	ssyncadd.s32 $0xFFFFD800  }
0x16: {  	s25 =	simm.s32 $0x0;
	[bflag:$0x0] =	sbarrier.arrive $0xFFFF  }
.LBB2_2:
0x17: {  	s26 =	sshll.u32 s25, $0xC  }
0x18: {  	s26 =	sadd.s32 s9, s26  }
0x19: {  	s26 =	sshrl.u32 s26, $0x3  }
0x1a: {  	s29 =	simm.s32 $0x0;
	s28 =	sadd.s32 s5, s26  }
0x1b: {  	[tilespmem:s29], [sflag:$0x3] =	stream.linear.gather [hbm4b:s28+s29], $0xC80, $0x38;
	[tilespmem:$0x1B000] =	vst v63  }
0x1c: {  	_ =	swait.ge [sflag:s13], $0xC80  }
0x1d: {  	[sflag:s13] =	ssyncset.done $0x0  }
0x1e: {  	s26 =	sadd.s32 s6, s26;
	[sflag:s13] =	ssyncadd.s32 $0xFFFFF380  }
0x1f: {  	[tilespmem:s14], [sflag:$0x3] =	stream.linear.gather [hbm4b:s26+s29], $0xC80, $0x38;
	[tilespmem:$0x1B000] =	vst v63  }
0x20: {  	_ =	swait.ge [sflag:s13], $0xC80  }
0x21: {  	[sflag:s13] =	ssyncset.done $0x0  }
0x22: {  	[sflag:s13] =	ssyncadd.s32 $0xFFFFF380  }
0x23: {  	[tilespmem:s16], [sflag:$0x1] =	stream.indirect.gather [hbm4b:s4+s15], $0x80, s29, s15, $0xb8;
	[tilespmem:$0x1B000] =	vst v63  }
0x24: {  	s31 =	simm.s32 $0x80  }
0x25: {  	[tilespmem:s17], [sflag:$0x2] =	stream.indirect.gather [hbm4b:s4+s15], $0x80, s31, s15, $0xb8;
	[tilespmem:$0x1B000] =	vst v63  }
0x26: {  	_ =	swait.ge [sflag:s18], $0x2800  }
0x27: {  	[sflag:s18] =	ssyncset.done $0x0  }
0x28: {  	s29 =	simm.s32 $0x1000;
	[sflag:s18] =	ssyncadd.s32 $0xFFFFD800  }
0x29: {  	[spmem:s2] =	stream.indirect.scatter.add.f32 [tilespmem:s16], [sflag:$0x3], $0x80, s29, s15, $0xb8;
	[tilespmem:$0x1B000] =	vst v63  }
0x2a: {  	_ =	swait.ge [sflag:s13], $0x2800  }
0x2b: {  	[sflag:s13] =	ssyncset.done $0x0  }
0x2c: {  	s30 =	simm.s32 $0x100;
	[sflag:s13] =	ssyncadd.s32 $0xFFFFD800  }
0x2d: {  	[tilespmem:s16], [sflag:$0x1] =	stream.indirect.gather [hbm4b:s4+s15], $0x80, s30, s15, $0xb8;
	[tilespmem:$0x1B000] =	vst v63  }
0x2e: {  	_ =	swait.ge [sflag:s19], $0x2800  }
0x2f: {  	[sflag:s19] =	ssyncset.done $0x0  }
0x30: {  	s31 =	simm.s32 $0x1080;
	[sflag:s19] =	ssyncadd.s32 $0xFFFFD800  }
0x31: {  	[spmem:s2] =	stream.indirect.scatter.add.f32 [tilespmem:s17], [sflag:$0x3], $0x80, s31, s15, $0xb8;
	[tilespmem:$0x1B000] =	vst v63  }
0x32: {  	_ =	swait.ge [sflag:s13], $0x2800  }
0x33: {  	s28 =	simm.s32 $0x800;
	s26 =	simm.s32 $0x100;
	[sflag:s13] =	ssyncset.done $0x0  }
.LBB2_3:
0x34: {  	s29 =	sadd.s32 $0x80, s26  }
0x35: {  	[sflag:s13] =	ssyncadd.s32 $0xFFFFD800;
	s30 =	smov.u32 s28;
	s31 =	sadd.s32 $0x400, s28  }
0x36: {  	[tilespmem:s17], [sflag:$0x2] =	stream.indirect.gather [hbm4b:s4+s15], $0x80, s29, s15, $0xb8;
	[tilespmem:$0x1B000] =	vst v63  }
0x37: {  	p0 =	sne.s32 s28, $0x2800;
	_ =	swait.ge [sflag:s18], $0x2800  }
0x38: {  	[sflag:s18] =	ssyncset.done $0x0  }
0x39: {  	s28 =	sadd.s32 $0x1000, s26;
	[sflag:s18] =	ssyncadd.s32 $0xFFFFD800  }
0x3a: {  	[spmem:s2] =	stream.indirect.scatter.add.f32 [tilespmem:s16], [sflag:$0x3], $0x80, s28, s15, $0xb8;
	[tilespmem:$0x1B000] =	vst v63  }
0x3b: {  	_ =	swait.ge [sflag:s13], $0x2800  }
0x3c: {  	[sflag:s13] =	ssyncset.done $0x0  }
0x3d: {  	s28 =	sadd.s32 $0x100, s26;
	[sflag:s13] =	ssyncadd.s32 $0xFFFFD800  }
0x3e: {  	[tilespmem:s16], [sflag:$0x1] =	stream.indirect.gather [hbm4b:s4+s15], $0x80, s28, s15, $0xb8;
	[tilespmem:$0x1B000] =	vst v63  }
0x3f: {  	_ =	swait.ge [sflag:s19], $0x2800  }
.Ltmp0:
0x40: {  	[sflag:s19] =	ssyncset.done $0x0;
	(pc) =	sbr.rel @p0 .LBB2_3-.Ltmp0, $4  }
0x41: {  	s26 =	sadd.s32 $0x1080, s26;
	[sflag:s19] =	ssyncadd.s32 $0xFFFFD800  }
0x42: {  	[spmem:s2] =	stream.indirect.scatter.add.f32 [tilespmem:s17], [sflag:$0x3], $0x80, s26, s15, $0xb8;
	[tilespmem:$0x1B000] =	vst v63  }
0x43: {  	_ =	swait.ge [sflag:s13], $0x2800  }
0x44: {  	s28 =	smov.u32 s31;
	s26 =	sshra.s32 s30, $0x2;
	[sflag:s13] =	ssyncset.done $0x0  }
0x45: {  	s28 =	sadd.s32 $0x80, s26;
	[sflag:s13] =	ssyncadd.s32 $0xFFFFD800  }
0x46: {  	[tilespmem:s17], [sflag:$0x2] =	stream.indirect.gather [hbm4b:s4+s15], $0x80, s28, s15, $0xb8;
	[tilespmem:$0x1B000] =	vst v63  }
0x47: {  	_ =	swait.ge [sflag:s18], $0x2800  }
0x48: {  	[sflag:s18] =	ssyncset.done $0x0  }
0x49: {  	s29 =	sadd.s32 $0x1000, s26;
	[sflag:s18] =	ssyncadd.s32 $0xFFFFD800  }
0x4a: {  	[spmem:s2] =	stream.indirect.scatter.add.f32 [tilespmem:s16], [sflag:$0x3], $0x80, s29, s15, $0xb8;
	[tilespmem:$0x1B000] =	vst v63  }
0x4b: {  	_ =	swait.ge [sflag:s13], $0x2800  }
0x4c: {  	[sflag:s13] =	ssyncset.done $0x0  }
0x4d: {  	s30 =	sadd.s32 $0x100, s26;
	[sflag:s13] =	ssyncadd.s32 $0xFFFFD800  }
0x4e: {  	[tilespmem:s16], [sflag:$0x1] =	stream.indirect.gather [hbm4b:s4+s15], $0x80, s30, s15, $0xb8;
	[tilespmem:$0x1B000] =	vst v63  }
0x4f: {  	_ =	swait.ge [sflag:s19], $0x2800  }
0x50: {  	[sflag:s19] =	ssyncset.done $0x0  }
0x51: {  	s31 =	sadd.s32 $0x1080, s26;
	[sflag:s19] =	ssyncadd.s32 $0xFFFFD800  }
0x52: {  	[spmem:s2] =	stream.indirect.scatter.add.f32 [tilespmem:s17], [sflag:$0x3], $0x80, s31, s15, $0xb8;
	[tilespmem:$0x1B000] =	vst v63  }
0x53: {  	_ =	swait.ge [sflag:s13], $0x2800  }
0x54: {  	[sflag:s13] =	ssyncset.done $0x0  }
0x55: {  	[sflag:s13] =	ssyncadd.s32 $0xFFFFD800  }
0x56: {  	[tilespmem:s17], [sflag:$0x2] =	stream.indirect.gather [hbm4b:s4+s15], $0x80, s20, s15, $0xb8;
	[tilespmem:$0x1B000] =	vst v63  }
0x57: {  	_ =	swait.ge [sflag:s18], $0x2800  }
0x58: {  	[sflag:s18] =	ssyncset.done $0x0  }
0x59: {  	[sflag:s18] =	ssyncadd.s32 $0xFFFFD800  }
0x5a: {  	[spmem:s2] =	stream.indirect.scatter.add.f32 [tilespmem:s16], [sflag:$0x3], $0x80, s21, s15, $0xb8;
	[tilespmem:$0x1B000] =	vst v63  }
0x5b: {  	_ =	swait.ge [sflag:s13], $0x2800  }
0x5c: {  	[sflag:s13] =	ssyncset.done $0x0  }
0x5d: {  	[sflag:s13] =	ssyncadd.s32 $0xFFFFD800  }
0x5e: {  	_ =	swait.ge [sflag:s19], $0x2800  }
0x5f: {  	[sflag:s19] =	ssyncset.done $0x0  }
0x60: {  	[sflag:s19] =	ssyncadd.s32 $0xFFFFD800  }
0x61: {  	[spmem:s2] =	stream.indirect.scatter.add.f32 [tilespmem:s17], [sflag:$0x3], $0x80, s22, s15, $0xb8;
	[tilespmem:$0x1B000] =	vst v63  }
0x62: {  	_ =	swait.ge [sflag:s13], $0x2800  }
0x63: {  	[sflag:s13] =	ssyncset.done $0x0  }
0x64: {  	[sflag:s13] =	ssyncadd.s32 $0xFFFFD800  }
0x65: {  	[tilespmem:s16], [sflag:$0x1] =	stream.indirect.gather [hbm4b:s4+s15], $0x80, s23, s15, $0xb8;
	[tilespmem:$0x1B000] =	vst v63  }
0x66: {  	s25 =	sadd.s32 $0x1, s25;
	_ =	swait.ge [sflag:s18], $0x2800  }
0x67: {  	p0 =	sne.s32 s25, $0x5;
	[sflag:s18] =	ssyncset.done $0x0  }
.Ltmp1:
0x68: {  	[sflag:s18] =	ssyncadd.s32 $0xFFFFD800;
	(pc) =	sbr.rel @p0 .LBB2_2-.Ltmp1, $4  }
0x69: {  	[spmem:s2] =	stream.indirect.scatter.add.f32 [tilespmem:s16], [sflag:$0x3], $0x80, s24, s15, $0xb8;
	[tilespmem:$0x1B000] =	vst v63  }
0x6a: {  	_ =	swait.ge [sflag:s13], $0x2800  }
0x6b: {  	[sflag:s13] =	ssyncset.done $0x0  }
0x6c: {  	[sflag:s13] =	ssyncadd.s32 $0xFFFFD800  }
0x6d: {  	s3 =	sadd.s32 $0x1, s3  }
0x6e: {  	p0 =	sne.s32 s3, s11  }
.Ltmp2:
0x6f: {  	[bflag:$0x0] =	sbarrier.arrive $0xFFFF;
	(pc) =	sbr.rel @p0 .LBB2_1-.Ltmp2, $4  }
0x70: {  	[hbm:s10], [sflag:s8] =	dma.local [spmem:s12], $0x2800  }
0x71: {  	_ =	swait.ge [sflag:s13], $0x2800  }
0x72: {  	[sflag:s13] =	ssyncset.done $0x0  }
0x73: {  	[sflag:s13] =	ssyncadd.s32 $0xFFFFD800  }
0x74: {  	_ =	sfence.sel $0x180000  }
0x75: {  	[bflag:$0x0] =	sbarrier.arrive $0xFFFF  }
0x76: {  	p0 =	sne.s32 s1, $0x0;
	_ =	strace $0x9000004D  }
0x77: {  	s0 =	sadd.s32 @!p0 $0x100000, s0;
	[bflag:$0x2] =	sbarrier.arrive $0xFFFF  }
0x78: {  	[sflag:s0] =	ssyncadd.tile.s32 @!p0 $0x1;
	_ =	shalt  }
.Lfunc_end2:
_tile_overlayer_lowered:
.L_overlay_start_2:
0x79: {  	(tag) =	ssettag $0x2  }
0x7a: {  	s0 =	rddreg [dreg:$0x0];
	s2 =	stileid.u32  }
0x7b: {  	s1 =	rddreg [dreg:$0x1];
	p0 =	sne.s32 s2, $0x0  }
0x7c: {  	s3 =	rddreg [dreg:$0x2];
	[bflag:$0x3] =	sbarrier.arrive $0xFFFF;
	s2 =	simm.s32 @!p0 $0x1C03  }
0x7d: {  	[timem:s3], [sflag:s2] =	dma.local @!p0 [hbm:s0], s1  }
0x7e: {  	s0 =	simm.s32 @!p0 $0x3  }
0x7f: {  	_ =	swait.ge @!p0 [sflag:s0], s1  }
0x80: {  	s1 =	ssub.s32 @!p0 $0x0, s1;
	[sflag:s0] =	ssyncset.done @!p0 $0x0  }
0x81: {  	[sflag:s0] =	ssyncadd.s32 @!p0 s1  }
0x82: {  	[bflag:$0x3] =	sbarrier.arrive $0xFFFF  }
0x83: {  	_ =	shalt  }

// kernel: kernel.9.cloned.1.call-start
scs
__scs_entry_jumppad:
0x0: {  	(pc) =	sbr.rel $0x88, $3  }
0x1: {  	(tag) =	ssettag $0x0;
	lr =	simm.s32 $0x1  }
0x2: {  	[smem:$0x3F98] =	sst lr;
	_ =	strace $0xD0000000  }
0x3: {  	_ = 	snop  }
0x4: {  	_ = 	snop  }
0x5: {  	_ = 	snop  }
0x6: {  	_ = 	snop  }
0x7: {  	_ = 	snop  }
__scs_overlays_trampoline_lowered:
0x8: {  	[smem:$0x3FA7] =	sst s0  }
0x9: {  	[smem:$0x3FA8] =	sst s1  }
0xa: {  	[smem:$0x3FA9] =	sst s2  }
0xb: {  	[smem:$0x3FAA] =	sst s3  }
0xc: {  	[smem:$0x3FAB] =	sst s4  }
0xd: {  	[smem:$0x3FAC] =	sst s5  }
0xe: {  	[smem:$0x3FAD] =	sst s6  }
0xf: {  	[smem:$0x3FAE] =	sst s7  }
0x10: {  	[smem:$0x3FAF] =	sst s8  }
0x11: {  	[smem:$0x3FB0] =	sst s9;
	s0 =	simm.s32 @!p0 $0x0  }
0x12: {  	s1 =	sld [smem:$0x3F96];
	s0 =	simm.s32 @p0 $0x1  }
0x13: {  	[smem:$0x3FB1] =	sst s0;
	s0 =	simm.s32 @!p1 $0x0  }
0x14: {  	s2 =	sld [smem:$0x3F95];
	s0 =	simm.s32 @p1 $0x1  }
0x15: {  	[smem:$0x3FB2] =	sst s0;
	s0 =	simm.s32 @!p2 $0x0  }
0x16: {  	s3 =	sld [smem:$0x3FDB];
	s0 =	simm.s32 @p2 $0x1  }
0x17: {  	s4 =	simm.s32 $0x1BF5;
	[smem:$0x3FB4] =	sst s0  }
0x18: {  	s0 =	sld [smem:$0x3F97];
	_ =	swait.ge [sflag:s4], $0x0  }
0x19: {  	s7 =	sld [smem:$0x3F98]  }
0x1a: {  	s8 =	sadd.s32 $0xFFFFE003, lr  }
0x1b: {  	s9 =	sadd.s32 $0xFFFFFEF7, lr;
	s5 =	simm.s32 $0xFFFFFFFF;
	p2 =	slt.u32 s8, $0xFFFFF086  }
0x1c: {  	p1 =	slt.u32 s9, $0xF7A;
	s5 =	simm.s32 @!p2 $0x0  }
0x1d: {  	s5 =	simm.s32 @p1 $0x1;
	p0 =	seq.s32 s7, s2  }
0x1e: {  	s7 =	smul.u32 @!p0 $0xF7A, s2;
	p2 =	seq.s32 @!p0 s5, $0x0  }
0x1f: {  	s9 =	smul.u32 $0xF7A, s1;
	s8 =	simm.s32 @!p0 $0x1BF5;
	p2 =	por !p2, p0  }
0x20: {  	[sflag:s8] =	ssyncset.s32 @!p0 $0xFFFFF086;
	s6 =	sadd.s32 @!p0 s3, s7;
	s7 =	simm.s32 @!p0 $0x108  }
0x21: {  	s3 =	sadd.s32 s3, s9;
	s6 =	sadd.s32 @!p0 $0x88, s6;
	s7 =	simm.s32 @p2 $0x1082  }
0x22: {  	[simem:s7], [sflag:s8] =	dma.local @!p0 [hbm:s6], $0xF7A  }
0x23: {  	s9 =	sor.u32 $0xD0000000, s2;
	s6 =	simm.s32 $0x108;
	_ =	swait.ge @!p0 [sflag:s8], $0x0  }
0x24: {  	s3 =	sadd.s32 $0x88, s3;
	s6 =	simm.s32 @!p1 $0x1082;
	[sflag:s4] =	ssyncset.s32 $0xFFFFF086  }
0x25: {  	[simem:s6], [sflag:s4] =	dma.local [hbm:s3], $0xF7A  }
0x26: {  	[smem:$0x3F98] =	sst s1;
	(tag) =	ssettag s2;
	_ =	strace s9  }
0x27: {  	s1 =	sld [smem:$0x3FA8]  }
0x28: {  	s2 =	sld [smem:$0x3FA9]  }
0x29: {  	s4 =	sld [smem:$0x3FAB]  }
0x2a: {  	p0 =	seq.s32 s5, $0x0;
	s5 =	sld [smem:$0x3FAC]  }
0x2b: {  	s6 =	sld [smem:$0x3FAD]  }
0x2c: {  	s7 =	sld [smem:$0x3FAE]  }
0x2d: {  	s3 =	simm.s32 $0x108;
	s8 =	sld [smem:$0x3FAF]  }
0x2e: {  	s3 =	simm.s32 @!p0 $0x1082;
	s9 =	sld [smem:$0x3FB0]  }
0x2f: {  	lr =	sadd.s32 s0, s3;
	s0 =	sld [smem:$0x3FA7]  }
0x30: {  	s3 =	sld [smem:$0x3FAA]  }
0x31: {  	[smem:$0x3FB3] =	sst s10  }
0x32: {  	s10 =	sld [smem:$0x3FB1];
	_ =	sdelay $0x3  }
0x33: {  	p0 =	seq.s32 s10, $0x1;
	s10 =	sld [smem:$0x3FB3];
	_ =	sdelay $0x3  }
0x34: {  	[smem:$0x3FB3] =	sst s10  }
0x35: {  	s10 =	sld [smem:$0x3FB2];
	_ =	sdelay $0x3  }
0x36: {  	p1 =	seq.s32 s10, $0x1;
	s10 =	sld [smem:$0x3FB3];
	_ =	sdelay $0x3  }
0x37: {  	[smem:$0x3FB3] =	sst s10  }
0x38: {  	s10 =	sld [smem:$0x3FB4]  }
0x39: {  	_ = 	snop;
	(pc) =	sbr.ind lr, $3  }
0x3a: {  	_ = 	snop  }
0x3b: {  	_ = 	snop  }
0x3c: {  	p2 =	seq.s32 s10, $0x1;
	s10 =	sld [smem:$0x3FB3]  }
0x3d: {  	_ =	shalt  }
0x3e: {  	_ =	shalt  }
0x3f: {  	_ =	shalt  }
0x40: {  	_ =	shalt  }
0x41: {  	_ =	shalt  }
0x42: {  	_ =	shalt  }
0x43: {  	_ =	shalt  }
0x44: {  	_ =	shalt  }
0x45: {  	_ =	shalt  }
0x46: {  	_ =	shalt  }
0x47: {  	_ =	shalt  }
0x48: {  	_ =	shalt  }
0x49: {  	_ =	shalt  }
0x4a: {  	_ =	shalt  }
0x4b: {  	_ =	shalt  }
0x4c: {  	_ =	shalt  }
0x4d: {  	_ =	shalt  }
0x4e: {  	_ =	shalt  }
0x4f: {  	_ =	shalt  }
0x50: {  	_ =	shalt  }
0x51: {  	_ =	shalt  }
0x52: {  	_ =	shalt  }
0x53: {  	_ =	shalt  }
0x54: {  	_ =	shalt  }
0x55: {  	_ =	shalt  }
0x56: {  	_ =	shalt  }
0x57: {  	_ =	shalt  }
0x58: {  	_ =	shalt  }
0x59: {  	_ =	shalt  }
0x5a: {  	_ =	shalt  }
0x5b: {  	_ =	shalt  }
0x5c: {  	_ =	shalt  }
0x5d: {  	_ =	shalt  }
0x5e: {  	_ =	shalt  }
0x5f: {  	_ =	shalt  }
0x60: {  	_ =	shalt  }
0x61: {  	_ =	shalt  }
0x62: {  	_ =	shalt  }
0x63: {  	_ =	shalt  }
0x64: {  	_ =	shalt  }
0x65: {  	_ =	shalt  }
0x66: {  	_ =	shalt  }
0x67: {  	_ =	shalt  }
0x68: {  	_ =	shalt  }
0x69: {  	_ =	shalt  }
0x6a: {  	_ =	shalt  }
0x6b: {  	_ =	shalt  }
0x6c: {  	_ =	shalt  }
0x6d: {  	_ =	shalt  }
0x6e: {  	_ =	shalt  }
0x6f: {  	_ =	shalt  }
0x70: {  	_ =	shalt  }
0x71: {  	_ =	shalt  }
0x72: {  	_ =	shalt  }
0x73: {  	_ =	shalt  }
0x74: {  	_ =	shalt  }
0x75: {  	_ =	shalt  }
0x76: {  	_ =	shalt  }
0x77: {  	_ =	shalt  }
0x78: {  	_ =	shalt  }
0x79: {  	_ =	shalt  }
0x7a: {  	_ =	shalt  }
0x7b: {  	_ =	shalt  }
0x7c: {  	_ =	shalt  }
0x7d: {  	_ =	shalt  }
0x7e: {  	_ =	shalt  }
0x7f: {  	_ =	shalt  }
0x80: {  	_ =	shalt  }
0x81: {  	_ =	shalt  }
0x82: {  	_ =	shalt  }
0x83: {  	_ =	shalt  }
0x84: {  	_ =	shalt  }
0x85: {  	_ =	shalt  }
0x86: {  	_ =	shalt  }
0x87: {  	_ =	shalt  }
.Lfunc_end0:
.L_simem_size_0:
called_computation_lowered:
.L_overlay_start_0:
0x88: {  	s2 =	sld [smem:$0x3FD9]  }
0x89: {  	s3 =	sld [smem:$0x3FFE];
	_ =	sdelay $0x1  }
0x8a: {  	s1 =	srdreg.scid  }
0x8b: {  	s0 =	sand.u32 $0x1, s1  }
0x8c: {  	s17 =	sshll.u32 s0, $0xA;
	s2 =	sadd.s32 s3, s2  }
0x8d: {  	s2 =	sadd.s32 s2, s17  }
0x8e: {  	[smem:$0x3FBF] =	sst s2  }
0x8f: {  	_ = 	snop  }
0x90: {  	s2 =	sld [smem:$0x3FD0];
	(tm) =	ssettm $0x1  }
0x91: {  	s18 =	sld [smem:$0x3FFB];
	_ =	sdelay $0x3  }
0x92: {  	_ =	strace s18  }
0x93: {  	s3 =	sld [smem:$0x3FFC];
	_ =	sdelay $0x3  }
0x94: {  	_ =	strace s3  }
0x95: {  	s3 =	sld [smem:$0x3FFD];
	_ =	sdelay $0x3  }
0x96: {  	_ =	strace s3  }
0x97: {  	_ =	strace $0x8FFFFFFF  }
0x98: {  	s19 =	sld [smem:$0x3FDB];
	_ =	sdelay $0x1  }
0x99: {  	s4 =	simm.s32 $_scs_section_size  }
0x9a: {  	s5 =	simm.s32 $_size__tile_overlayer_lowered;
	s6 =	simm.s32 $_tile_overlayer_lowered  }
0x9b: {  	s22 =	simm.s32 $0x1BFF;
	s21 =	sshll.u32 s6, $0x1;
	s3 =	sadd.s32 s4, s19  }
0x9c: {  	s7 =	simm.s32 $0x0;
	s20 =	sshll.u32 s5, $0x1;
	s5 =	sadd.s32 s21, s3  }
0x9d: {  	[timem:s7], [sflag:s22] =	dma.local [hbm:s5], s20  }
0x9e: {  	_ =	swait.ge [sflag:s22], s20  }
0x9f: {  	s4 =	ssub.s32 $0x0, s20;
	[sflag:s22] =	ssyncset.done $0x0  }
0xa0: {  	[sflag:s22] =	ssyncadd.s32 s4;
	_ =	sdelay $0x1  }
0xa1: {  	s23 =	simm.s32 $0x1B8B  }
0xa2: {  	_ =	swait.ge [sflag:s23], $0x1  }
0xa3: {  	[sflag:s23] =	ssyncset.done $0x0  }
0xa4: {  	s25 =	simm.s32 $0x1B8E;
	s24 =	sld [smem:$0x3FFE];
	[sflag:s23] =	ssyncadd.s32 $0xFFFFFFFF  }
0xa5: {  	s26 =	simm.s32 $execute0_lowered;
	[smem:$0x3FD2] =	sst s25  }
0xa6: {  	s5 =	sshll.u32 s26, $0x1;
	_ =	strace $0x80000046;
	[dreg:$0x1] =	wrdreg $0xFFFFFFFF  }
0xa7: {  	s28 =	simm.s32 $_size_execute0_lowered;
	s3 =	sadd.s32 s3, s5;
	[dreg:$0x0] =	wrdreg $0x0  }
0xa8: {  	s5 =	sshll.u32 s28, $0x1;
	[dreg:$0x2] =	wrdreg s3  }
0xa9: {  	[dreg:$0x3] =	wrdreg s5  }
0xaa: {  	[dreg:$0x4] =	wrdreg $0xC0  }
0xab: {  	_ =	task [dreg:s7], $0x5FFFF  }
0xac: {  	[dreg:$0x1] =	wrdreg $0xFFFFFFFF  }
0xad: {  	[dreg:$0x0] =	wrdreg $0x60  }
0xae: {  	[dreg:$0x2] =	wrdreg s24  }
0xaf: {  	[dreg:$0x3] =	wrdreg s2  }
0xb0: {  	[dreg:$0x4] =	wrdreg $0x40800  }
0xb1: {  	[dreg:$0x5] =	wrdreg $0x9  }
0xb2: {  	_ =	task.clear_ibuf [dreg:s7], $0x6FFFF;
	_ =	strace $0x90000046  }
0xb3: {  	s29 =	simm.s32 $0x9;
	_ =	strace $0x80000048  }
0xb4: {  	_ =	swait.ge [sflag:s29], $0x1  }
0xb5: {  	[sflag:s29] =	ssyncadd.s32 $0xFFFFFFFF  }
0xb6: {  	_ =	strace $0x90000048  }
0xb7: {  	_ =	sfence  }
0xb8: {  	s30 =	sld [smem:$0x0];
	_ =	sdelay $0x2  }
0xb9: {  	s31 =	sshll.u32 s1, $0xD;
	s1 =	sshrl.u32 s1, $0x2  }
0xba: {  	s3 =	sand.u32 $0x4000, s31;
	s1 =	sadd.s32 s1, s30  }
0xbb: {  	s0 =	sor.u32 s3, s0;
	s1 =	sshll.u32 s1, $0x11  }
0xbc: {  	s0 =	sor.u32 s1, s0  }
0xbd: {  	s0 =	sadd.s32 $0x8F2B, s0  }
0xbe: {  	[sflag:s0] =	ssyncadd.remote.s32 $0x1  }
0xbf: {  	_ =	sfence.sel $0xFFFF  }
0xc0: {  	[dreg:$0x0] =	wrdreg $0xFFFFFFFF;
	(pc) =	sbr.abs _section_cstart, $3  }
0xc1: {  	[dreg:$0x1] =	wrdreg $0xFFFFFFFF  }
0xc2: {  	_ =	task.clear_ibuf [dreg:s7], $0x2FFFF;
	_ =	strace $0x9FFFFFFF  }
0xc3: {  	(tm) =	ssettm $0x7FFFFFFF  }
tec
execute0_lowered:
.L_overlay_start_1:
0x0: {  	(tag) =	ssettag $0x1  }
0x1: {  	s5 =	rddreg [dreg:$0x0]  }
0x2: {  	s1 =	rddreg [dreg:$0x1]  }
0x3: {  	s3 =	rddreg [dreg:$0x2]  }
0x4: {  	s0 =	rddreg [dreg:$0x3];
	s4 =	simm.s32 $0x0;
	s2 =	stileid.u32  }
0x5: {  	s7 =	srdreg.scid;
	s13 =	simm.s32 $0x50;
	s14 =	simm.s32 $0x20  }
0x6: {  	s15 =	simm.s32 $0x10;
	s16 =	simm.s32 $0x0;
	s6 =	smul.u32 $0x2800, s2  }
0x7: {  	[smem:$0x7FF] =	sst s4;
	s7 =	sand.u32 $0x1, s7;
	s8 =	smul.u32 $0x5000, s2  }
0x8: {  	s9 =	sshll.u32 s2, $0xB;
	s31 =	sshll.u32 s2, $0x6;
	_ =	strace $0x80000047  }
0x9: {  	s11 =	sshll.u32 s7, $0x7;
	s9 =	sadd.s32 s9, s5;
	s28 =	ssub.s32 $0x2, s7  }
0xa: {  	s7 =	sshll.u32 s7, $0xF;
	s10 =	sshrl.u32 s6, $0x3;
	s8 =	sor.u32 s11, s8  }
0xb: {  	s29 =	sshrl.u32 s28, $0x1;
	s7 =	sadd.s32 s7, s9;
	s12 =	sadd.s32 s6, s3  }
0xc: {  	s9 =	simm.s32 $0x1;
	s11 =	sor.u32 $0x1C01, s31;
	s10 =	sadd.s32 s10, s5  }
0xd: {  	s8 =	sshrl.u32 s8, $0x3;
	s30 =	ssub.s32 s28, s29;
	s12 =	sshrl.u32 s12, $0x3  }
0xe: {  	s8 =	sadd.s32 s8, s5;
	s5 =	sadd.s32 $0x2200, s7;
	s6 =	sadd.s32 $0x12200, s10  }
0xf: {  	s10 =	simm.s32 $0x4000;
	s7 =	sadd.s32 $0x17200, s8;
	s8 =	smax.u32 s30, $0x1  }
.LBB2_1:
0x10: {  	[tilespmem:s4], [sflag:$0x1] =	stream.linear.gather [hbm4b:s5+s4], $0x3E80, $0x38;
	[tilespmem:$0x6880] =	vst v63  }
0x11: {  	_ =	swait.ge [sflag:s9], $0x3E80  }
0x12: {  	[sflag:s9] =	ssyncset.done $0x0  }
0x13: {  	[sflag:s9] =	ssyncadd.s32 $0xFFFFC180  }
0x14: {  	[tilespmem:s10], [sflag:$0x1] =	stream.linear.gather [hbm4b:s1+s4], $0x80, $0x38;
	[tilespmem:$0x6880] =	vst v63  }
0x15: {  	_ =	swait.ge [sflag:s9], $0x80  }
0x16: {  	[sflag:s9] =	ssyncset.done $0x0  }
0x17: {  	[sflag:s9] =	ssyncadd.s32 $0xFFFFFF80  }
0x18: {  	[spmem:s12], [sflag:s11] =	dma.local [hbm:s6], $0x500  }
0x19: {  	_ =	swait.ge [sflag:s9], $0x500  }
0x1a: {  	[sflag:s9] =	ssyncset.done $0x0  }
0x1b: {  	[sflag:s9] =	ssyncadd.s32 $0xFFFFFB00  }
0x1c: {  	s17 =	simm.s32 $0x0;
	[bflag:$0x0] =	sbarrier.arrive $0xFFFF  }
0x1d: {  	[spmem:s3] =	stream.indirect.scatter.add.f32 [tilespmem:s10], [sflag:$0x1], $0x1, s17, s13, $0xb8;
	[tilespmem:$0x6880] =	vst v63  }
0x1e: {  	_ =	swait.ge [sflag:s9], $0x50  }
0x1f: {  	s17 =	simm.s32 $0x200;
	[sflag:s9] =	ssyncset.done $0x0  }
.LBB2_2:
0x20: {  	s18 =	sshra.s32 s17, $0x2;
	[sflag:s9] =	ssyncadd.s32 $0xFFFFFFB0;
	p0 =	sne.s32 s17, $0xF800  }
0x21: {  	[spmem:s3] =	stream.indirect.scatter.add.f32 [tilespmem:s10], [sflag:$0x1], $0x1, s18, s13, $0xb8;
	[tilespmem:$0x6880] =	vst v63  }
.Ltmp0:
0x22: {  	_ = 	snop;
	(pc) =	sbr.rel @p0 .LBB2_2-.Ltmp0, $4  }
0x23: {  	_ = 	snop  }
0x24: {  	s17 =	sadd.s32 $0x200, s17  }
0x25: {  	_ =	swait.ge [sflag:s9], $0x50  }
0x26: {  	[sflag:s9] =	ssyncset.done $0x0  }
0x27: {  	s16 =	sadd.s32 $0x1, s16  }
0x28: {  	[sflag:s9] =	ssyncadd.s32 $0xFFFFFFB0;
	p0 =	sne.s32 s16, s8  }
.Ltmp1:
0x29: {  	[bflag:$0x0] =	sbarrier.arrive $0xFFFF;
	(pc) =	sbr.rel @p0 .LBB2_1-.Ltmp1, $4  }
0x2a: {  	[hbm:s7@s14], [sflag:s11] =	dma.strided [spmem:s12@s15], $0x500, s9, $0x10   }
0x2b: {  	_ =	swait.ge [sflag:s9], $0x500  }
0x2c: {  	[sflag:s9] =	ssyncset.done $0x0  }
0x2d: {  	[sflag:s9] =	ssyncadd.s32 $0xFFFFFB00  }
0x2e: {  	_ =	sfence.sel $0x180000  }
0x2f: {  	[bflag:$0x0] =	sbarrier.arrive $0xFFFF  }
0x30: {  	p0 =	sne.s32 s2, $0x0;
	_ =	strace $0x90000047  }
0x31: {  	s0 =	sadd.s32 @!p0 $0x100000, s0;
	[bflag:$0x2] =	sbarrier.arrive $0xFFFF  }
0x32: {  	[sflag:s0] =	ssyncadd.tile.s32 @!p0 $0x1;
	_ =	shalt  }
.Lfunc_end2:
_tile_overlayer_lowered:
.L_overlay_start_2:
0x33: {  	(tag) =	ssettag $0x2  }
0x34: {  	s0 =	rddreg [dreg:$0x0];
	s2 =	stileid.u32  }
0x35: {  	s1 =	rddreg [dreg:$0x1];
	p0 =	sne.s32 s2, $0x0  }
0x36: {  	s3 =	rddreg [dreg:$0x2];
	[bflag:$0x3] =	sbarrier.arrive $0xFFFF;
	s2 =	simm.s32 @!p0 $0x1C01  }
0x37: {  	[timem:s3], [sflag:s2] =	dma.local @!p0 [hbm:s0], s1  }
0x38: {  	s0 =	simm.s32 @!p0 $0x1  }
0x39: {  	_ =	swait.ge @!p0 [sflag:s0], s1  }
0x3a: {  	s1 =	ssub.s32 @!p0 $0x0, s1;
	[sflag:s0] =	ssyncset.done @!p0 $0x0  }
0x3b: {  	[sflag:s0] =	ssyncadd.s32 @!p0 s1  }
0x3c: {  	[bflag:$0x3] =	sbarrier.arrive $0xFFFF  }
0x3d: {  	_ =	shalt  }

</sc_bundles>
